<compile_context>
chip_gen: v7x
topology: tpu7x:2x2x1
jax: 0.10.2.dev20260603
libtpu: 0.0.44.dev20260713+nightly
codegen_flags: <defaults>
</compile_context>

<pallas_src>
import jax
import jax.numpy as jnp
from jax import lax
from jax.experimental import pallas as pl
from jax.experimental.pallas import tpu as pltpu
from jax.experimental.pallas import tpu_sc as plsc

B = 16384
C = 26
L = 16

NW = 32
BPW = B // NW
NG = BPW // L


def _sc_body(x_hbm, out_hbm, buf, o0, o1, sem):
    wid = lax.axis_index("s") * 2 + lax.axis_index("c")
    b0 = wid * BPW

    copies = [
        pltpu.async_copy(
            x_hbm.at[c * 64, pl.ds(b0, BPW)],
            buf.at[pl.ds(c * BPW, BPW)],
            sem,
        )
        for c in range(C)
    ]
    for cp in copies:
        cp.wait()

    def group_body(g, carry):
        off = pl.multiple_of(g * L, L)
        mxa = jnp.zeros((L,), jnp.float32)
        mxb = jnp.zeros((L,), jnp.float32)
        mna = jnp.ones((L,), jnp.float32)
        mnb = jnp.ones((L,), jnp.float32)
        for c in range(0, C, 2):
            va = buf[pl.ds(c * BPW + off, L)]
            mxa = jnp.maximum(mxa, va)
            mna = jnp.minimum(mna, va)
            if c + 1 < C:
                vb = buf[pl.ds((c + 1) * BPW + off, L)]
                mxb = jnp.maximum(mxb, vb)
                mnb = jnp.minimum(mnb, vb)
        mx = jnp.maximum(mxa, mxb)
        mn = jnp.minimum(mna, mnb)
        o0[pl.ds(off, L)] = jnp.where(mn <= 0.5, 1.0, 0.0)
        o1[pl.ds(off, L)] = jnp.where(mx > 0.5, 1.0, 0.0)
        return carry

    lax.fori_loop(0, NG, group_body, 0)

    cp0 = pltpu.async_copy(o0, out_hbm.at[0, pl.ds(b0, BPW)], sem)
    cp1 = pltpu.async_copy(o1, out_hbm.at[1, pl.ds(b0, BPW)], sem)
    cp0.wait()
    cp1.wait()


@jax.jit
def kernel(x):
    xv = x.transpose(1, 2, 3, 0).reshape(C * 64, B)
    mesh = plsc.VectorSubcoreMesh(core_axis_name="c", subcore_axis_name="s")
    run = pl.kernel(
        _sc_body,
        out_type=jax.ShapeDtypeStruct((2, B), jnp.float32),
        mesh=mesh,
        scratch_types=[
            pltpu.VMEM((C * BPW,), jnp.float32),
            pltpu.VMEM((BPW,), jnp.float32),
            pltpu.VMEM((BPW,), jnp.float32),
            pltpu.SemaphoreType.DMA,
        ],
    )
    return run(xv).T

# --- scband reference (transcript-rebuilt; emitter-appended) ---
"""Pipeline reference for scband-biggest-dummy-7713761264181 (READ-ONLY COPY).

The authoritative reference and input builder live on the scoring server;
editing this copy changes nothing except your own understanding.
"""

import jax, jax.numpy as jnp
import numpy as np


def setup_inputs(seed: int = 0) -> dict:
    key = jax.random.key(seed)
    # x values uniform in [0, 1) so round() yields indices in {0, 1},
    # which are valid column indices for the size-2 output (matches torch semantics).
    x = jax.random.uniform(key, (16384, 26, 8, 8), dtype=jnp.float32)
    return {"x": x}


def reference(x):
    # indices = x[:, :, 0, 0].round().long()  -> [B, C]
    indices = jnp.round(x[:, :, 0, 0]).astype(jnp.int32)
    B = x.shape[0]
    out = jnp.zeros((B, 2), dtype=jnp.float32)
    rows = jnp.arange(B)[:, None]  # [B, 1], broadcasts against [B, C] indices
    # out[arange(B).unsqueeze(1), indices] = 1  -> scatter-overwrite
    out = out.at[rows, indices].set(1.0)
    return out

if __name__ == "__main__":
    import jax
    _d = setup_inputs()
    print(jax.jit(kernel)(*tuple(_d.values())))

</pallas_src>

<mosaic_0001>
#map = affine_map<(d0, d1) -> (0, 0)>
module attributes {stable_mosaic.version = 14 : i64} {
  func.func @_sc_body(%arg0: i32, %arg1: i32, %arg2: memref<1664x16384xf32, #tpu.memory_space<hbm>>, %arg3: memref<2x16384xf32, #tpu.memory_space<hbm>>, %arg4: memref<13312xf32, #tpu.memory_space<vmem>>, %arg5: memref<512xf32, #tpu.memory_space<vmem>>, %arg6: memref<512xf32, #tpu.memory_space<vmem>>, %arg7: memref<!tpu.dma_semaphore, #tpu.memory_space<semaphore_mem>>) attributes {dimension_semantics = [#tpu.dimension_semantics<core_parallel>, #tpu.dimension_semantics<subcore_parallel>], iteration_bounds = array<i64: 2, 16>, scalar_prefetch = 0 : i64, scratch_operands = 4 : i64, tpu.core_type = #tpu.core_type<sc_vector_subcore>, window_params = [{transform_indices = #map}, {transform_indices = #map}]} {
    %mul3A = arith.constant 2 : i32
    %mul3A_0 = arith.muli %arg1, %mul3A : i32
    %add3A = arith.addi %mul3A_0, %arg0 : i32
    %mul3A_1 = arith.constant 512 : i32
    %mul3A_2 = arith.muli %add3A, %mul3A_1 : i32
    %dma_start3A = arith.constant 0 : i32
    %dma_start3A_3 = arith.constant 0 : i32
    %dma_start3A_4 = tpu.memref_slice %arg4[%dma_start3A_3] : memref<13312xf32, #tpu.memory_space<vmem>> -> memref<512xf32, #tpu.memory_space<vmem>>
    %dma_start3A_5 = tpu.memref_slice %arg2[%dma_start3A, %mul3A_2] : memref<1664x16384xf32, #tpu.memory_space<hbm>> -> memref<1x512xf32, #tpu.memory_space<hbm>>
    %dma_start3A_6 = tpu.memref_squeeze %dma_start3A_5 : memref<1x512xf32, #tpu.memory_space<hbm>> -> memref<512xf32, #tpu.memory_space<hbm>>
    %dma_start3A_7 = arith.constant 0 : i32
    %dma_start3A_8 = tpu.memref_slice %arg4[%dma_start3A_7] : memref<13312xf32, #tpu.memory_space<vmem>> -> memref<512xf32, #tpu.memory_space<vmem>>
    %dma_start3A_9 = tpu.memref_slice %arg2[%dma_start3A, %mul3A_2] : memref<1664x16384xf32, #tpu.memory_space<hbm>> -> memref<1x512xf32, #tpu.memory_space<hbm>>
    %dma_start3A_10 = tpu.memref_squeeze %dma_start3A_9 : memref<1x512xf32, #tpu.memory_space<hbm>> -> memref<512xf32, #tpu.memory_space<hbm>>
    tpu.enqueue_dma source(%dma_start3A_10 : memref<512xf32, #tpu.memory_space<hbm>>) target(%dma_start3A_8 : memref<512xf32, #tpu.memory_space<vmem>>) target_semaphore(%arg7 : memref<!tpu.dma_semaphore, #tpu.memory_space<semaphore_mem>>)
    %dma_start3A_11 = arith.constant 64 : i32
    %dma_start3A_12 = arith.constant 512 : i32
    %dma_start3A_13 = tpu.memref_slice %arg4[%dma_start3A_12] : memref<13312xf32, #tpu.memory_space<vmem>> -> memref<512xf32, #tpu.memory_space<vmem>>
    %dma_start3A_14 = tpu.memref_slice %arg2[%dma_start3A_11, %mul3A_2] : memref<1664x16384xf32, #tpu.memory_space<hbm>> -> memref<1x512xf32, #tpu.memory_space<hbm>>
    %dma_start3A_15 = tpu.memref_squeeze %dma_start3A_14 : memref<1x512xf32, #tpu.memory_space<hbm>> -> memref<512xf32, #tpu.memory_space<hbm>>
    %dma_start3A_16 = arith.constant 512 : i32
    %dma_start3A_17 = tpu.memref_slice %arg4[%dma_start3A_16] : memref<13312xf32, #tpu.memory_space<vmem>> -> memref<512xf32, #tpu.memory_space<vmem>>
    %dma_start3A_18 = tpu.memref_slice %arg2[%dma_start3A_11, %mul3A_2] : memref<1664x16384xf32, #tpu.memory_space<hbm>> -> memref<1x512xf32, #tpu.memory_space<hbm>>
    %dma_start3A_19 = tpu.memref_squeeze %dma_start3A_18 : memref<1x512xf32, #tpu.memory_space<hbm>> -> memref<512xf32, #tpu.memory_space<hbm>>
    tpu.enqueue_dma source(%dma_start3A_19 : memref<512xf32, #tpu.memory_space<hbm>>) target(%dma_start3A_17 : memref<512xf32, #tpu.memory_space<vmem>>) target_semaphore(%arg7 : memref<!tpu.dma_semaphore, #tpu.memory_space<semaphore_mem>>)
    %dma_start3A_20 = arith.constant 128 : i32
    %dma_start3A_21 = arith.constant 1024 : i32
    %dma_start3A_22 = tpu.memref_slice %arg4[%dma_start3A_21] : memref<13312xf32, #tpu.memory_space<vmem>> -> memref<512xf32, #tpu.memory_space<vmem>>
    %dma_start3A_23 = tpu.memref_slice %arg2[%dma_start3A_20, %mul3A_2] : memref<1664x16384xf32, #tpu.memory_space<hbm>> -> memref<1x512xf32, #tpu.memory_space<hbm>>
    %dma_start3A_24 = tpu.memref_squeeze %dma_start3A_23 : memref<1x512xf32, #tpu.memory_space<hbm>> -> memref<512xf32, #tpu.memory_space<hbm>>
    %dma_start3A_25 = arith.constant 1024 : i32
    %dma_start3A_26 = tpu.memref_slice %arg4[%dma_start3A_25] : memref<13312xf32, #tpu.memory_space<vmem>> -> memref<512xf32, #tpu.memory_space<vmem>>
    %dma_start3A_27 = tpu.memref_slice %arg2[%dma_start3A_20, %mul3A_2] : memref<1664x16384xf32, #tpu.memory_space<hbm>> -> memref<1x512xf32, #tpu.memory_space<hbm>>
    %dma_start3A_28 = tpu.memref_squeeze %dma_start3A_27 : memref<1x512xf32, #tpu.memory_space<hbm>> -> memref<512xf32, #tpu.memory_space<hbm>>
    tpu.enqueue_dma source(%dma_start3A_28 : memref<512xf32, #tpu.memory_space<hbm>>) target(%dma_start3A_26 : memref<512xf32, #tpu.memory_space<vmem>>) target_semaphore(%arg7 : memref<!tpu.dma_semaphore, #tpu.memory_space<semaphore_mem>>)
    %dma_start3A_29 = arith.constant 192 : i32
    %dma_start3A_30 = arith.constant 1536 : i32
    %dma_start3A_31 = tpu.memref_slice %arg4[%dma_start3A_30] : memref<13312xf32, #tpu.memory_space<vmem>> -> memref<512xf32, #tpu.memory_space<vmem>>
    %dma_start3A_32 = tpu.memref_slice %arg2[%dma_start3A_29, %mul3A_2] : memref<1664x16384xf32, #tpu.memory_space<hbm>> -> memref<1x512xf32, #tpu.memory_space<hbm>>
    %dma_start3A_33 = tpu.memref_squeeze %dma_start3A_32 : memref<1x512xf32, #tpu.memory_space<hbm>> -> memref<512xf32, #tpu.memory_space<hbm>>
    %dma_start3A_34 = arith.constant 1536 : i32
    %dma_start3A_35 = tpu.memref_slice %arg4[%dma_start3A_34] : memref<13312xf32, #tpu.memory_space<vmem>> -> memref<512xf32, #tpu.memory_space<vmem>>
    %dma_start3A_36 = tpu.memref_slice %arg2[%dma_start3A_29, %mul3A_2] : memref<1664x16384xf32, #tpu.memory_space<hbm>> -> memref<1x512xf32, #tpu.memory_space<hbm>>
    %dma_start3A_37 = tpu.memref_squeeze %dma_start3A_36 : memref<1x512xf32, #tpu.memory_space<hbm>> -> memref<512xf32, #tpu.memory_space<hbm>>
    tpu.enqueue_dma source(%dma_start3A_37 : memref<512xf32, #tpu.memory_space<hbm>>) target(%dma_start3A_35 : memref<512xf32, #tpu.memory_space<vmem>>) target_semaphore(%arg7 : memref<!tpu.dma_semaphore, #tpu.memory_space<semaphore_mem>>)
    %dma_start3A_38 = arith.constant 256 : i32
    %dma_start3A_39 = arith.constant 2048 : i32
    %dma_start3A_40 = tpu.memref_slice %arg4[%dma_start3A_39] : memref<13312xf32, #tpu.memory_space<vmem>> -> memref<512xf32, #tpu.memory_space<vmem>>
    %dma_start3A_41 = tpu.memref_slice %arg2[%dma_start3A_38, %mul3A_2] : memref<1664x16384xf32, #tpu.memory_space<hbm>> -> memref<1x512xf32, #tpu.memory_space<hbm>>
    %dma_start3A_42 = tpu.memref_squeeze %dma_start3A_41 : memref<1x512xf32, #tpu.memory_space<hbm>> -> memref<512xf32, #tpu.memory_space<hbm>>
    %dma_start3A_43 = arith.constant 2048 : i32
    %dma_start3A_44 = tpu.memref_slice %arg4[%dma_start3A_43] : memref<13312xf32, #tpu.memory_space<vmem>> -> memref<512xf32, #tpu.memory_space<vmem>>
    %dma_start3A_45 = tpu.memref_slice %arg2[%dma_start3A_38, %mul3A_2] : memref<1664x16384xf32, #tpu.memory_space<hbm>> -> memref<1x512xf32, #tpu.memory_space<hbm>>
    %dma_start3A_46 = tpu.memref_squeeze %dma_start3A_45 : memref<1x512xf32, #tpu.memory_space<hbm>> -> memref<512xf32, #tpu.memory_space<hbm>>
    tpu.enqueue_dma source(%dma_start3A_46 : memref<512xf32, #tpu.memory_space<hbm>>) target(%dma_start3A_44 : memref<512xf32, #tpu.memory_space<vmem>>) target_semaphore(%arg7 : memref<!tpu.dma_semaphore, #tpu.memory_space<semaphore_mem>>)
    %dma_start3A_47 = arith.constant 320 : i32
    %dma_start3A_48 = arith.constant 2560 : i32
    %dma_start3A_49 = tpu.memref_slice %arg4[%dma_start3A_48] : memref<13312xf32, #tpu.memory_space<vmem>> -> memref<512xf32, #tpu.memory_space<vmem>>
    %dma_start3A_50 = tpu.memref_slice %arg2[%dma_start3A_47, %mul3A_2] : memref<1664x16384xf32, #tpu.memory_space<hbm>> -> memref<1x512xf32, #tpu.memory_space<hbm>>
    %dma_start3A_51 = tpu.memref_squeeze %dma_start3A_50 : memref<1x512xf32, #tpu.memory_space<hbm>> -> memref<512xf32, #tpu.memory_space<hbm>>
    %dma_start3A_52 = arith.constant 2560 : i32
    %dma_start3A_53 = tpu.memref_slice %arg4[%dma_start3A_52] : memref<13312xf32, #tpu.memory_space<vmem>> -> memref<512xf32, #tpu.memory_space<vmem>>
    %dma_start3A_54 = tpu.memref_slice %arg2[%dma_start3A_47, %mul3A_2] : memref<1664x16384xf32, #tpu.memory_space<hbm>> -> memref<1x512xf32, #tpu.memory_space<hbm>>
    %dma_start3A_55 = tpu.memref_squeeze %dma_start3A_54 : memref<1x512xf32, #tpu.memory_space<hbm>> -> memref<512xf32, #tpu.memory_space<hbm>>
    tpu.enqueue_dma source(%dma_start3A_55 : memref<512xf32, #tpu.memory_space<hbm>>) target(%dma_start3A_53 : memref<512xf32, #tpu.memory_space<vmem>>) target_semaphore(%arg7 : memref<!tpu.dma_semaphore, #tpu.memory_space<semaphore_mem>>)
    %dma_start3A_56 = arith.constant 384 : i32
    %dma_start3A_57 = arith.constant 3072 : i32
    %dma_start3A_58 = tpu.memref_slice %arg4[%dma_start3A_57] : memref<13312xf32, #tpu.memory_space<vmem>> -> memref<512xf32, #tpu.memory_space<vmem>>
    %dma_start3A_59 = tpu.memref_slice %arg2[%dma_start3A_56, %mul3A_2] : memref<1664x16384xf32, #tpu.memory_space<hbm>> -> memref<1x512xf32, #tpu.memory_space<hbm>>
    %dma_start3A_60 = tpu.memref_squeeze %dma_start3A_59 : memref<1x512xf32, #tpu.memory_space<hbm>> -> memref<512xf32, #tpu.memory_space<hbm>>
    %dma_start3A_61 = arith.constant 3072 : i32
    %dma_start3A_62 = tpu.memref_slice %arg4[%dma_start3A_61] : memref<13312xf32, #tpu.memory_space<vmem>> -> memref<512xf32, #tpu.memory_space<vmem>>
    %dma_start3A_63 = tpu.memref_slice %arg2[%dma_start3A_56, %mul3A_2] : memref<1664x16384xf32, #tpu.memory_space<hbm>> -> memref<1x512xf32, #tpu.memory_space<hbm>>
    %dma_start3A_64 = tpu.memref_squeeze %dma_start3A_63 : memref<1x512xf32, #tpu.memory_space<hbm>> -> memref<512xf32, #tpu.memory_space<hbm>>
    tpu.enqueue_dma source(%dma_start3A_64 : memref<512xf32, #tpu.memory_space<hbm>>) target(%dma_start3A_62 : memref<512xf32, #tpu.memory_space<vmem>>) target_semaphore(%arg7 : memref<!tpu.dma_semaphore, #tpu.memory_space<semaphore_mem>>)
    %dma_start3A_65 = arith.constant 448 : i32
    %dma_start3A_66 = arith.constant 3584 : i32
    %dma_start3A_67 = tpu.memref_slice %arg4[%dma_start3A_66] : memref<13312xf32, #tpu.memory_space<vmem>> -> memref<512xf32, #tpu.memory_space<vmem>>
    %dma_start3A_68 = tpu.memref_slice %arg2[%dma_start3A_65, %mul3A_2] : memref<1664x16384xf32, #tpu.memory_space<hbm>> -> memref<1x512xf32, #tpu.memory_space<hbm>>
    %dma_start3A_69 = tpu.memref_squeeze %dma_start3A_68 : memref<1x512xf32, #tpu.memory_space<hbm>> -> memref<512xf32, #tpu.memory_space<hbm>>
    %dma_start3A_70 = arith.constant 3584 : i32
    %dma_start3A_71 = tpu.memref_slice %arg4[%dma_start3A_70] : memref<13312xf32, #tpu.memory_space<vmem>> -> memref<512xf32, #tpu.memory_space<vmem>>
    %dma_start3A_72 = tpu.memref_slice %arg2[%dma_start3A_65, %mul3A_2] : memref<1664x16384xf32, #tpu.memory_space<hbm>> -> memref<1x512xf32, #tpu.memory_space<hbm>>
    %dma_start3A_73 = tpu.memref_squeeze %dma_start3A_72 : memref<1x512xf32, #tpu.memory_space<hbm>> -> memref<512xf32, #tpu.memory_space<hbm>>
    tpu.enqueue_dma source(%dma_start3A_73 : memref<512xf32, #tpu.memory_space<hbm>>) target(%dma_start3A_71 : memref<512xf32, #tpu.memory_space<vmem>>) target_semaphore(%arg7 : memref<!tpu.dma_semaphore, #tpu.memory_space<semaphore_mem>>)
    %dma_start3A_74 = arith.constant 512 : i32
    %dma_start3A_75 = arith.constant 4096 : i32
    %dma_start3A_76 = tpu.memref_slice %arg4[%dma_start3A_75] : memref<13312xf32, #tpu.memory_space<vmem>> -> memref<512xf32, #tpu.memory_space<vmem>>
    %dma_start3A_77 = tpu.memref_slice %arg2[%dma_start3A_74, %mul3A_2] : memref<1664x16384xf32, #tpu.memory_space<hbm>> -> memref<1x512xf32, #tpu.memory_space<hbm>>
    %dma_start3A_78 = tpu.memref_squeeze %dma_start3A_77 : memref<1x512xf32, #tpu.memory_space<hbm>> -> memref<512xf32, #tpu.memory_space<hbm>>
    %dma_start3A_79 = arith.constant 4096 : i32
    %dma_start3A_80 = tpu.memref_slice %arg4[%dma_start3A_79] : memref<13312xf32, #tpu.memory_space<vmem>> -> memref<512xf32, #tpu.memory_space<vmem>>
    %dma_start3A_81 = tpu.memref_slice %arg2[%dma_start3A_74, %mul3A_2] : memref<1664x16384xf32, #tpu.memory_space<hbm>> -> memref<1x512xf32, #tpu.memory_space<hbm>>
    %dma_start3A_82 = tpu.memref_squeeze %dma_start3A_81 : memref<1x512xf32, #tpu.memory_space<hbm>> -> memref<512xf32, #tpu.memory_space<hbm>>
    tpu.enqueue_dma source(%dma_start3A_82 : memref<512xf32, #tpu.memory_space<hbm>>) target(%dma_start3A_80 : memref<512xf32, #tpu.memory_space<vmem>>) target_semaphore(%arg7 : memref<!tpu.dma_semaphore, #tpu.memory_space<semaphore_mem>>)
    %dma_start3A_83 = arith.constant 576 : i32
    %dma_start3A_84 = arith.constant 4608 : i32
    %dma_start3A_85 = tpu.memref_slice %arg4[%dma_start3A_84] : memref<13312xf32, #tpu.memory_space<vmem>> -> memref<512xf32, #tpu.memory_space<vmem>>
    %dma_start3A_86 = tpu.memref_slice %arg2[%dma_start3A_83, %mul3A_2] : memref<1664x16384xf32, #tpu.memory_space<hbm>> -> memref<1x512xf32, #tpu.memory_space<hbm>>
    %dma_start3A_87 = tpu.memref_squeeze %dma_start3A_86 : memref<1x512xf32, #tpu.memory_space<hbm>> -> memref<512xf32, #tpu.memory_space<hbm>>
    %dma_start3A_88 = arith.constant 4608 : i32
    %dma_start3A_89 = tpu.memref_slice %arg4[%dma_start3A_88] : memref<13312xf32, #tpu.memory_space<vmem>> -> memref<512xf32, #tpu.memory_space<vmem>>
    %dma_start3A_90 = tpu.memref_slice %arg2[%dma_start3A_83, %mul3A_2] : memref<1664x16384xf32, #tpu.memory_space<hbm>> -> memref<1x512xf32, #tpu.memory_space<hbm>>
    %dma_start3A_91 = tpu.memref_squeeze %dma_start3A_90 : memref<1x512xf32, #tpu.memory_space<hbm>> -> memref<512xf32, #tpu.memory_space<hbm>>
    tpu.enqueue_dma source(%dma_start3A_91 : memref<512xf32, #tpu.memory_space<hbm>>) target(%dma_start3A_89 : memref<512xf32, #tpu.memory_space<vmem>>) target_semaphore(%arg7 : memref<!tpu.dma_semaphore, #tpu.memory_space<semaphore_mem>>)
    %dma_start3A_92 = arith.constant 640 : i32
    %dma_start3A_93 = arith.constant 5120 : i32
    %dma_start3A_94 = tpu.memref_slice %arg4[%dma_start3A_93] : memref<13312xf32, #tpu.memory_space<vmem>> -> memref<512xf32, #tpu.memory_space<vmem>>
    %dma_start3A_95 = tpu.memref_slice %arg2[%dma_start3A_92, %mul3A_2] : memref<1664x16384xf32, #tpu.memory_space<hbm>> -> memref<1x512xf32, #tpu.memory_space<hbm>>
    %dma_start3A_96 = tpu.memref_squeeze %dma_start3A_95 : memref<1x512xf32, #tpu.memory_space<hbm>> -> memref<512xf32, #tpu.memory_space<hbm>>
    %dma_start3A_97 = arith.constant 5120 : i32
    %dma_start3A_98 = tpu.memref_slice %arg4[%dma_start3A_97] : memref<13312xf32, #tpu.memory_space<vmem>> -> memref<512xf32, #tpu.memory_space<vmem>>
    %dma_start3A_99 = tpu.memref_slice %arg2[%dma_start3A_92, %mul3A_2] : memref<1664x16384xf32, #tpu.memory_space<hbm>> -> memref<1x512xf32, #tpu.memory_space<hbm>>
    %dma_start3A_100 = tpu.memref_squeeze %dma_start3A_99 : memref<1x512xf32, #tpu.memory_space<hbm>> -> memref<512xf32, #tpu.memory_space<hbm>>
    tpu.enqueue_dma source(%dma_start3A_100 : memref<512xf32, #tpu.memory_space<hbm>>) target(%dma_start3A_98 : memref<512xf32, #tpu.memory_space<vmem>>) target_semaphore(%arg7 : memref<!tpu.dma_semaphore, #tpu.memory_space<semaphore_mem>>)
    %dma_start3A_101 = arith.constant 704 : i32
    %dma_start3A_102 = arith.constant 5632 : i32
    %dma_start3A_103 = tpu.memref_slice %arg4[%dma_start3A_102] : memref<13312xf32, #tpu.memory_space<vmem>> -> memref<512xf32, #tpu.memory_space<vmem>>
    %dma_start3A_104 = tpu.memref_slice %arg2[%dma_start3A_101, %mul3A_2] : memref<1664x16384xf32, #tpu.memory_space<hbm>> -> memref<1x512xf32, #tpu.memory_space<hbm>>
    %dma_start3A_105 = tpu.memref_squeeze %dma_start3A_104 : memref<1x512xf32, #tpu.memory_space<hbm>> -> memref<512xf32, #tpu.memory_space<hbm>>
    %dma_start3A_106 = arith.constant 5632 : i32
    %dma_start3A_107 = tpu.memref_slice %arg4[%dma_start3A_106] : memref<13312xf32, #tpu.memory_space<vmem>> -> memref<512xf32, #tpu.memory_space<vmem>>
    %dma_start3A_108 = tpu.memref_slice %arg2[%dma_start3A_101, %mul3A_2] : memref<1664x16384xf32, #tpu.memory_space<hbm>> -> memref<1x512xf32, #tpu.memory_space<hbm>>
    %dma_start3A_109 = tpu.memref_squeeze %dma_start3A_108 : memref<1x512xf32, #tpu.memory_space<hbm>> -> memref<512xf32, #tpu.memory_space<hbm>>
    tpu.enqueue_dma source(%dma_start3A_109 : memref<512xf32, #tpu.memory_space<hbm>>) target(%dma_start3A_107 : memref<512xf32, #tpu.memory_space<vmem>>) target_semaphore(%arg7 : memref<!tpu.dma_semaphore, #tpu.memory_space<semaphore_mem>>)
    %dma_start3A_110 = arith.constant 768 : i32
    %dma_start3A_111 = arith.constant 6144 : i32
    %dma_start3A_112 = tpu.memref_slice %arg4[%dma_start3A_111] : memref<13312xf32, #tpu.memory_space<vmem>> -> memref<512xf32, #tpu.memory_space<vmem>>
    %dma_start3A_113 = tpu.memref_slice %arg2[%dma_start3A_110, %mul3A_2] : memref<1664x16384xf32, #tpu.memory_space<hbm>> -> memref<1x512xf32, #tpu.memory_space<hbm>>
    %dma_start3A_114 = tpu.memref_squeeze %dma_start3A_113 : memref<1x512xf32, #tpu.memory_space<hbm>> -> memref<512xf32, #tpu.memory_space<hbm>>
    %dma_start3A_115 = arith.constant 6144 : i32
    %dma_start3A_116 = tpu.memref_slice %arg4[%dma_start3A_115] : memref<13312xf32, #tpu.memory_space<vmem>> -> memref<512xf32, #tpu.memory_space<vmem>>
    %dma_start3A_117 = tpu.memref_slice %arg2[%dma_start3A_110, %mul3A_2] : memref<1664x16384xf32, #tpu.memory_space<hbm>> -> memref<1x512xf32, #tpu.memory_space<hbm>>
    %dma_start3A_118 = tpu.memref_squeeze %dma_start3A_117 : memref<1x512xf32, #tpu.memory_space<hbm>> -> memref<512xf32, #tpu.memory_space<hbm>>
    tpu.enqueue_dma source(%dma_start3A_118 : memref<512xf32, #tpu.memory_space<hbm>>) target(%dma_start3A_116 : memref<512xf32, #tpu.memory_space<vmem>>) target_semaphore(%arg7 : memref<!tpu.dma_semaphore, #tpu.memory_space<semaphore_mem>>)
    %dma_start3A_119 = arith.constant 832 : i32
    %dma_start3A_120 = arith.constant 6656 : i32
    %dma_start3A_121 = tpu.memref_slice %arg4[%dma_start3A_120] : memref<13312xf32, #tpu.memory_space<vmem>> -> memref<512xf32, #tpu.memory_space<vmem>>
    %dma_start3A_122 = tpu.memref_slice %arg2[%dma_start3A_119, %mul3A_2] : memref<1664x16384xf32, #tpu.memory_space<hbm>> -> memref<1x512xf32, #tpu.memory_space<hbm>>
    %dma_start3A_123 = tpu.memref_squeeze %dma_start3A_122 : memref<1x512xf32, #tpu.memory_space<hbm>> -> memref<512xf32, #tpu.memory_space<hbm>>
    %dma_start3A_124 = arith.constant 6656 : i32
    %dma_start3A_125 = tpu.memref_slice %arg4[%dma_start3A_124] : memref<13312xf32, #tpu.memory_space<vmem>> -> memref<512xf32, #tpu.memory_space<vmem>>
    %dma_start3A_126 = tpu.memref_slice %arg2[%dma_start3A_119, %mul3A_2] : memref<1664x16384xf32, #tpu.memory_space<hbm>> -> memref<1x512xf32, #tpu.memory_space<hbm>>
    %dma_start3A_127 = tpu.memref_squeeze %dma_start3A_126 : memref<1x512xf32, #tpu.memory_space<hbm>> -> memref<512xf32, #tpu.memory_space<hbm>>
    tpu.enqueue_dma source(%dma_start3A_127 : memref<512xf32, #tpu.memory_space<hbm>>) target(%dma_start3A_125 : memref<512xf32, #tpu.memory_space<vmem>>) target_semaphore(%arg7 : memref<!tpu.dma_semaphore, #tpu.memory_space<semaphore_mem>>)
    %dma_start3A_128 = arith.constant 896 : i32
    %dma_start3A_129 = arith.constant 7168 : i32
    %dma_start3A_130 = tpu.memref_slice %arg4[%dma_start3A_129] : memref<13312xf32, #tpu.memory_space<vmem>> -> memref<512xf32, #tpu.memory_space<vmem>>
    %dma_start3A_131 = tpu.memref_slice %arg2[%dma_start3A_128, %mul3A_2] : memref<1664x16384xf32, #tpu.memory_space<hbm>> -> memref<1x512xf32, #tpu.memory_space<hbm>>
    %dma_start3A_132 = tpu.memref_squeeze %dma_start3A_131 : memref<1x512xf32, #tpu.memory_space<hbm>> -> memref<512xf32, #tpu.memory_space<hbm>>
    %dma_start3A_133 = arith.constant 7168 : i32
    %dma_start3A_134 = tpu.memref_slice %arg4[%dma_start3A_133] : memref<13312xf32, #tpu.memory_space<vmem>> -> memref<512xf32, #tpu.memory_space<vmem>>
    %dma_start3A_135 = tpu.memref_slice %arg2[%dma_start3A_128, %mul3A_2] : memref<1664x16384xf32, #tpu.memory_space<hbm>> -> memref<1x512xf32, #tpu.memory_space<hbm>>
    %dma_start3A_136 = tpu.memref_squeeze %dma_start3A_135 : memref<1x512xf32, #tpu.memory_space<hbm>> -> memref<512xf32, #tpu.memory_space<hbm>>
    tpu.enqueue_dma source(%dma_start3A_136 : memref<512xf32, #tpu.memory_space<hbm>>) target(%dma_start3A_134 : memref<512xf32, #tpu.memory_space<vmem>>) target_semaphore(%arg7 : memref<!tpu.dma_semaphore, #tpu.memory_space<semaphore_mem>>)
    %dma_start3A_137 = arith.constant 960 : i32
    %dma_start3A_138 = arith.constant 7680 : i32
    %dma_start3A_139 = tpu.memref_slice %arg4[%dma_start3A_138] : memref<13312xf32, #tpu.memory_space<vmem>> -> memref<512xf32, #tpu.memory_space<vmem>>
    %dma_start3A_140 = tpu.memref_slice %arg2[%dma_start3A_137, %mul3A_2] : memref<1664x16384xf32, #tpu.memory_space<hbm>> -> memref<1x512xf32, #tpu.memory_space<hbm>>
    %dma_start3A_141 = tpu.memref_squeeze %dma_start3A_140 : memref<1x512xf32, #tpu.memory_space<hbm>> -> memref<512xf32, #tpu.memory_space<hbm>>
    %dma_start3A_142 = arith.constant 7680 : i32
    %dma_start3A_143 = tpu.memref_slice %arg4[%dma_start3A_142] : memref<13312xf32, #tpu.memory_space<vmem>> -> memref<512xf32, #tpu.memory_space<vmem>>
    %dma_start3A_144 = tpu.memref_slice %arg2[%dma_start3A_137, %mul3A_2] : memref<1664x16384xf32, #tpu.memory_space<hbm>> -> memref<1x512xf32, #tpu.memory_space<hbm>>
    %dma_start3A_145 = tpu.memref_squeeze %dma_start3A_144 : memref<1x512xf32, #tpu.memory_space<hbm>> -> memref<512xf32, #tpu.memory_space<hbm>>
    tpu.enqueue_dma source(%dma_start3A_145 : memref<512xf32, #tpu.memory_space<hbm>>) target(%dma_start3A_143 : memref<512xf32, #tpu.memory_space<vmem>>) target_semaphore(%arg7 : memref<!tpu.dma_semaphore, #tpu.memory_space<semaphore_mem>>)
    %dma_start3A_146 = arith.constant 1024 : i32
    %dma_start3A_147 = arith.constant 8192 : i32
    %dma_start3A_148 = tpu.memref_slice %arg4[%dma_start3A_147] : memref<13312xf32, #tpu.memory_space<vmem>> -> memref<512xf32, #tpu.memory_space<vmem>>
    %dma_start3A_149 = tpu.memref_slice %arg2[%dma_start3A_146, %mul3A_2] : memref<1664x16384xf32, #tpu.memory_space<hbm>> -> memref<1x512xf32, #tpu.memory_space<hbm>>
    %dma_start3A_150 = tpu.memref_squeeze %dma_start3A_149 : memref<1x512xf32, #tpu.memory_space<hbm>> -> memref<512xf32, #tpu.memory_space<hbm>>
    %dma_start3A_151 = arith.constant 8192 : i32
    %dma_start3A_152 = tpu.memref_slice %arg4[%dma_start3A_151] : memref<13312xf32, #tpu.memory_space<vmem>> -> memref<512xf32, #tpu.memory_space<vmem>>
    %dma_start3A_153 = tpu.memref_slice %arg2[%dma_start3A_146, %mul3A_2] : memref<1664x16384xf32, #tpu.memory_space<hbm>> -> memref<1x512xf32, #tpu.memory_space<hbm>>
    %dma_start3A_154 = tpu.memref_squeeze %dma_start3A_153 : memref<1x512xf32, #tpu.memory_space<hbm>> -> memref<512xf32, #tpu.memory_space<hbm>>
    tpu.enqueue_dma source(%dma_start3A_154 : memref<512xf32, #tpu.memory_space<hbm>>) target(%dma_start3A_152 : memref<512xf32, #tpu.memory_space<vmem>>) target_semaphore(%arg7 : memref<!tpu.dma_semaphore, #tpu.memory_space<semaphore_mem>>)
    %dma_start3A_155 = arith.constant 1088 : i32
    %dma_start3A_156 = arith.constant 8704 : i32
    %dma_start3A_157 = tpu.memref_slice %arg4[%dma_start3A_156] : memref<13312xf32, #tpu.memory_space<vmem>> -> memref<512xf32, #tpu.memory_space<vmem>>
    %dma_start3A_158 = tpu.memref_slice %arg2[%dma_start3A_155, %mul3A_2] : memref<1664x16384xf32, #tpu.memory_space<hbm>> -> memref<1x512xf32, #tpu.memory_space<hbm>>
    %dma_start3A_159 = tpu.memref_squeeze %dma_start3A_158 : memref<1x512xf32, #tpu.memory_space<hbm>> -> memref<512xf32, #tpu.memory_space<hbm>>
    %dma_start3A_160 = arith.constant 8704 : i32
    %dma_start3A_161 = tpu.memref_slice %arg4[%dma_start3A_160] : memref<13312xf32, #tpu.memory_space<vmem>> -> memref<512xf32, #tpu.memory_space<vmem>>
    %dma_start3A_162 = tpu.memref_slice %arg2[%dma_start3A_155, %mul3A_2] : memref<1664x16384xf32, #tpu.memory_space<hbm>> -> memref<1x512xf32, #tpu.memory_space<hbm>>
    %dma_start3A_163 = tpu.memref_squeeze %dma_start3A_162 : memref<1x512xf32, #tpu.memory_space<hbm>> -> memref<512xf32, #tpu.memory_space<hbm>>
    tpu.enqueue_dma source(%dma_start3A_163 : memref<512xf32, #tpu.memory_space<hbm>>) target(%dma_start3A_161 : memref<512xf32, #tpu.memory_space<vmem>>) target_semaphore(%arg7 : memref<!tpu.dma_semaphore, #tpu.memory_space<semaphore_mem>>)
    %dma_start3A_164 = arith.constant 1152 : i32
    %dma_start3A_165 = arith.constant 9216 : i32
    %dma_start3A_166 = tpu.memref_slice %arg4[%dma_start3A_165] : memref<13312xf32, #tpu.memory_space<vmem>> -> memref<512xf32, #tpu.memory_space<vmem>>
    %dma_start3A_167 = tpu.memref_slice %arg2[%dma_start3A_164, %mul3A_2] : memref<1664x16384xf32, #tpu.memory_space<hbm>> -> memref<1x512xf32, #tpu.memory_space<hbm>>
    %dma_start3A_168 = tpu.memref_squeeze %dma_start3A_167 : memref<1x512xf32, #tpu.memory_space<hbm>> -> memref<512xf32, #tpu.memory_space<hbm>>
    %dma_start3A_169 = arith.constant 9216 : i32
    %dma_start3A_170 = tpu.memref_slice %arg4[%dma_start3A_169] : memref<13312xf32, #tpu.memory_space<vmem>> -> memref<512xf32, #tpu.memory_space<vmem>>
    %dma_start3A_171 = tpu.memref_slice %arg2[%dma_start3A_164, %mul3A_2] : memref<1664x16384xf32, #tpu.memory_space<hbm>> -> memref<1x512xf32, #tpu.memory_space<hbm>>
    %dma_start3A_172 = tpu.memref_squeeze %dma_start3A_171 : memref<1x512xf32, #tpu.memory_space<hbm>> -> memref<512xf32, #tpu.memory_space<hbm>>
    tpu.enqueue_dma source(%dma_start3A_172 : memref<512xf32, #tpu.memory_space<hbm>>) target(%dma_start3A_170 : memref<512xf32, #tpu.memory_space<vmem>>) target_semaphore(%arg7 : memref<!tpu.dma_semaphore, #tpu.memory_space<semaphore_mem>>)
    %dma_start3A_173 = arith.constant 1216 : i32
    %dma_start3A_174 = arith.constant 9728 : i32
    %dma_start3A_175 = tpu.memref_slice %arg4[%dma_start3A_174] : memref<13312xf32, #tpu.memory_space<vmem>> -> memref<512xf32, #tpu.memory_space<vmem>>
    %dma_start3A_176 = tpu.memref_slice %arg2[%dma_start3A_173, %mul3A_2] : memref<1664x16384xf32, #tpu.memory_space<hbm>> -> memref<1x512xf32, #tpu.memory_space<hbm>>
    %dma_start3A_177 = tpu.memref_squeeze %dma_start3A_176 : memref<1x512xf32, #tpu.memory_space<hbm>> -> memref<512xf32, #tpu.memory_space<hbm>>
    %dma_start3A_178 = arith.constant 9728 : i32
    %dma_start3A_179 = tpu.memref_slice %arg4[%dma_start3A_178] : memref<13312xf32, #tpu.memory_space<vmem>> -> memref<512xf32, #tpu.memory_space<vmem>>
    %dma_start3A_180 = tpu.memref_slice %arg2[%dma_start3A_173, %mul3A_2] : memref<1664x16384xf32, #tpu.memory_space<hbm>> -> memref<1x512xf32, #tpu.memory_space<hbm>>
    %dma_start3A_181 = tpu.memref_squeeze %dma_start3A_180 : memref<1x512xf32, #tpu.memory_space<hbm>> -> memref<512xf32, #tpu.memory_space<hbm>>
    tpu.enqueue_dma source(%dma_start3A_181 : memref<512xf32, #tpu.memory_space<hbm>>) target(%dma_start3A_179 : memref<512xf32, #tpu.memory_space<vmem>>) target_semaphore(%arg7 : memref<!tpu.dma_semaphore, #tpu.memory_space<semaphore_mem>>)
    %dma_start3A_182 = arith.constant 1280 : i32
    %dma_start3A_183 = arith.constant 10240 : i32
    %dma_start3A_184 = tpu.memref_slice %arg4[%dma_start3A_183] : memref<13312xf32, #tpu.memory_space<vmem>> -> memref<512xf32, #tpu.memory_space<vmem>>
    %dma_start3A_185 = tpu.memref_slice %arg2[%dma_start3A_182, %mul3A_2] : memref<1664x16384xf32, #tpu.memory_space<hbm>> -> memref<1x512xf32, #tpu.memory_space<hbm>>
    %dma_start3A_186 = tpu.memref_squeeze %dma_start3A_185 : memref<1x512xf32, #tpu.memory_space<hbm>> -> memref<512xf32, #tpu.memory_space<hbm>>
    %dma_start3A_187 = arith.constant 10240 : i32
    %dma_start3A_188 = tpu.memref_slice %arg4[%dma_start3A_187] : memref<13312xf32, #tpu.memory_space<vmem>> -> memref<512xf32, #tpu.memory_space<vmem>>
    %dma_start3A_189 = tpu.memref_slice %arg2[%dma_start3A_182, %mul3A_2] : memref<1664x16384xf32, #tpu.memory_space<hbm>> -> memref<1x512xf32, #tpu.memory_space<hbm>>
    %dma_start3A_190 = tpu.memref_squeeze %dma_start3A_189 : memref<1x512xf32, #tpu.memory_space<hbm>> -> memref<512xf32, #tpu.memory_space<hbm>>
    tpu.enqueue_dma source(%dma_start3A_190 : memref<512xf32, #tpu.memory_space<hbm>>) target(%dma_start3A_188 : memref<512xf32, #tpu.memory_space<vmem>>) target_semaphore(%arg7 : memref<!tpu.dma_semaphore, #tpu.memory_space<semaphore_mem>>)
    %dma_start3A_191 = arith.constant 1344 : i32
    %dma_start3A_192 = arith.constant 10752 : i32
    %dma_start3A_193 = tpu.memref_slice %arg4[%dma_start3A_192] : memref<13312xf32, #tpu.memory_space<vmem>> -> memref<512xf32, #tpu.memory_space<vmem>>
    %dma_start3A_194 = tpu.memref_slice %arg2[%dma_start3A_191, %mul3A_2] : memref<1664x16384xf32, #tpu.memory_space<hbm>> -> memref<1x512xf32, #tpu.memory_space<hbm>>
    %dma_start3A_195 = tpu.memref_squeeze %dma_start3A_194 : memref<1x512xf32, #tpu.memory_space<hbm>> -> memref<512xf32, #tpu.memory_space<hbm>>
    %dma_start3A_196 = arith.constant 10752 : i32
    %dma_start3A_197 = tpu.memref_slice %arg4[%dma_start3A_196] : memref<13312xf32, #tpu.memory_space<vmem>> -> memref<512xf32, #tpu.memory_space<vmem>>
    %dma_start3A_198 = tpu.memref_slice %arg2[%dma_start3A_191, %mul3A_2] : memref<1664x16384xf32, #tpu.memory_space<hbm>> -> memref<1x512xf32, #tpu.memory_space<hbm>>
    %dma_start3A_199 = tpu.memref_squeeze %dma_start3A_198 : memref<1x512xf32, #tpu.memory_space<hbm>> -> memref<512xf32, #tpu.memory_space<hbm>>
    tpu.enqueue_dma source(%dma_start3A_199 : memref<512xf32, #tpu.memory_space<hbm>>) target(%dma_start3A_197 : memref<512xf32, #tpu.memory_space<vmem>>) target_semaphore(%arg7 : memref<!tpu.dma_semaphore, #tpu.memory_space<semaphore_mem>>)
    %dma_start3A_200 = arith.constant 1408 : i32
    %dma_start3A_201 = arith.constant 11264 : i32
    %dma_start3A_202 = tpu.memref_slice %arg4[%dma_start3A_201] : memref<13312xf32, #tpu.memory_space<vmem>> -> memref<512xf32, #tpu.memory_space<vmem>>
    %dma_start3A_203 = tpu.memref_slice %arg2[%dma_start3A_200, %mul3A_2] : memref<1664x16384xf32, #tpu.memory_space<hbm>> -> memref<1x512xf32, #tpu.memory_space<hbm>>
    %dma_start3A_204 = tpu.memref_squeeze %dma_start3A_203 : memref<1x512xf32, #tpu.memory_space<hbm>> -> memref<512xf32, #tpu.memory_space<hbm>>
    %dma_start3A_205 = arith.constant 11264 : i32
    %dma_start3A_206 = tpu.memref_slice %arg4[%dma_start3A_205] : memref<13312xf32, #tpu.memory_space<vmem>> -> memref<512xf32, #tpu.memory_space<vmem>>
    %dma_start3A_207 = tpu.memref_slice %arg2[%dma_start3A_200, %mul3A_2] : memref<1664x16384xf32, #tpu.memory_space<hbm>> -> memref<1x512xf32, #tpu.memory_space<hbm>>
    %dma_start3A_208 = tpu.memref_squeeze %dma_start3A_207 : memref<1x512xf32, #tpu.memory_space<hbm>> -> memref<512xf32, #tpu.memory_space<hbm>>
    tpu.enqueue_dma source(%dma_start3A_208 : memref<512xf32, #tpu.memory_space<hbm>>) target(%dma_start3A_206 : memref<512xf32, #tpu.memory_space<vmem>>) target_semaphore(%arg7 : memref<!tpu.dma_semaphore, #tpu.memory_space<semaphore_mem>>)
    %dma_start3A_209 = arith.constant 1472 : i32
    %dma_start3A_210 = arith.constant 11776 : i32
    %dma_start3A_211 = tpu.memref_slice %arg4[%dma_start3A_210] : memref<13312xf32, #tpu.memory_space<vmem>> -> memref<512xf32, #tpu.memory_space<vmem>>
    %dma_start3A_212 = tpu.memref_slice %arg2[%dma_start3A_209, %mul3A_2] : memref<1664x16384xf32, #tpu.memory_space<hbm>> -> memref<1x512xf32, #tpu.memory_space<hbm>>
    %dma_start3A_213 = tpu.memref_squeeze %dma_start3A_212 : memref<1x512xf32, #tpu.memory_space<hbm>> -> memref<512xf32, #tpu.memory_space<hbm>>
    %dma_start3A_214 = arith.constant 11776 : i32
    %dma_start3A_215 = tpu.memref_slice %arg4[%dma_start3A_214] : memref<13312xf32, #tpu.memory_space<vmem>> -> memref<512xf32, #tpu.memory_space<vmem>>
    %dma_start3A_216 = tpu.memref_slice %arg2[%dma_start3A_209, %mul3A_2] : memref<1664x16384xf32, #tpu.memory_space<hbm>> -> memref<1x512xf32, #tpu.memory_space<hbm>>
    %dma_start3A_217 = tpu.memref_squeeze %dma_start3A_216 : memref<1x512xf32, #tpu.memory_space<hbm>> -> memref<512xf32, #tpu.memory_space<hbm>>
    tpu.enqueue_dma source(%dma_start3A_217 : memref<512xf32, #tpu.memory_space<hbm>>) target(%dma_start3A_215 : memref<512xf32, #tpu.memory_space<vmem>>) target_semaphore(%arg7 : memref<!tpu.dma_semaphore, #tpu.memory_space<semaphore_mem>>)
    %dma_start3A_218 = arith.constant 1536 : i32
    %dma_start3A_219 = arith.constant 12288 : i32
    %dma_start3A_220 = tpu.memref_slice %arg4[%dma_start3A_219] : memref<13312xf32, #tpu.memory_space<vmem>> -> memref<512xf32, #tpu.memory_space<vmem>>
    %dma_start3A_221 = tpu.memref_slice %arg2[%dma_start3A_218, %mul3A_2] : memref<1664x16384xf32, #tpu.memory_space<hbm>> -> memref<1x512xf32, #tpu.memory_space<hbm>>
    %dma_start3A_222 = tpu.memref_squeeze %dma_start3A_221 : memref<1x512xf32, #tpu.memory_space<hbm>> -> memref<512xf32, #tpu.memory_space<hbm>>
    %dma_start3A_223 = arith.constant 12288 : i32
    %dma_start3A_224 = tpu.memref_slice %arg4[%dma_start3A_223] : memref<13312xf32, #tpu.memory_space<vmem>> -> memref<512xf32, #tpu.memory_space<vmem>>
    %dma_start3A_225 = tpu.memref_slice %arg2[%dma_start3A_218, %mul3A_2] : memref<1664x16384xf32, #tpu.memory_space<hbm>> -> memref<1x512xf32, #tpu.memory_space<hbm>>
    %dma_start3A_226 = tpu.memref_squeeze %dma_start3A_225 : memref<1x512xf32, #tpu.memory_space<hbm>> -> memref<512xf32, #tpu.memory_space<hbm>>
    tpu.enqueue_dma source(%dma_start3A_226 : memref<512xf32, #tpu.memory_space<hbm>>) target(%dma_start3A_224 : memref<512xf32, #tpu.memory_space<vmem>>) target_semaphore(%arg7 : memref<!tpu.dma_semaphore, #tpu.memory_space<semaphore_mem>>)
    %dma_start3A_227 = arith.constant 1600 : i32
    %dma_start3A_228 = arith.constant 12800 : i32
    %dma_start3A_229 = tpu.memref_slice %arg4[%dma_start3A_228] : memref<13312xf32, #tpu.memory_space<vmem>> -> memref<512xf32, #tpu.memory_space<vmem>>
    %dma_start3A_230 = tpu.memref_slice %arg2[%dma_start3A_227, %mul3A_2] : memref<1664x16384xf32, #tpu.memory_space<hbm>> -> memref<1x512xf32, #tpu.memory_space<hbm>>
    %dma_start3A_231 = tpu.memref_squeeze %dma_start3A_230 : memref<1x512xf32, #tpu.memory_space<hbm>> -> memref<512xf32, #tpu.memory_space<hbm>>
    %dma_start3A_232 = arith.constant 12800 : i32
    %dma_start3A_233 = tpu.memref_slice %arg4[%dma_start3A_232] : memref<13312xf32, #tpu.memory_space<vmem>> -> memref<512xf32, #tpu.memory_space<vmem>>
    %dma_start3A_234 = tpu.memref_slice %arg2[%dma_start3A_227, %mul3A_2] : memref<1664x16384xf32, #tpu.memory_space<hbm>> -> memref<1x512xf32, #tpu.memory_space<hbm>>
    %dma_start3A_235 = tpu.memref_squeeze %dma_start3A_234 : memref<1x512xf32, #tpu.memory_space<hbm>> -> memref<512xf32, #tpu.memory_space<hbm>>
    tpu.enqueue_dma source(%dma_start3A_235 : memref<512xf32, #tpu.memory_space<hbm>>) target(%dma_start3A_233 : memref<512xf32, #tpu.memory_space<vmem>>) target_semaphore(%arg7 : memref<!tpu.dma_semaphore, #tpu.memory_space<semaphore_mem>>)
    %dma_wait3A = arith.constant 0 : i32
    %dma_wait3A_236 = arith.constant 0 : i32
    %dma_wait3A_237 = tpu.memref_slice %arg4[%dma_wait3A_236] : memref<13312xf32, #tpu.memory_space<vmem>> -> memref<512xf32, #tpu.memory_space<vmem>>
    %dma_wait3A_238 = tpu.memref_slice %arg2[%dma_wait3A, %mul3A_2] : memref<1664x16384xf32, #tpu.memory_space<hbm>> -> memref<1x512xf32, #tpu.memory_space<hbm>>
    %dma_wait3A_239 = tpu.memref_squeeze %dma_wait3A_238 : memref<1x512xf32, #tpu.memory_space<hbm>> -> memref<512xf32, #tpu.memory_space<hbm>>
    %dma_wait3A_240 = arith.constant 0 : i32
    %dma_wait3A_241 = tpu.memref_slice %arg4[%dma_wait3A_240] : memref<13312xf32, #tpu.memory_space<vmem>> -> memref<512xf32, #tpu.memory_space<vmem>>
    %dma_wait3A_242 = tpu.memref_slice %arg2[%dma_wait3A, %mul3A_2] : memref<1664x16384xf32, #tpu.memory_space<hbm>> -> memref<1x512xf32, #tpu.memory_space<hbm>>
    %dma_wait3A_243 = tpu.memref_squeeze %dma_wait3A_242 : memref<1x512xf32, #tpu.memory_space<hbm>> -> memref<512xf32, #tpu.memory_space<hbm>>
    tpu.wait_dma2 semaphore(%arg7 : memref<!tpu.dma_semaphore, #tpu.memory_space<semaphore_mem>>) src(%dma_wait3A_243 : memref<512xf32, #tpu.memory_space<hbm>>) dst(%dma_wait3A_241 : memref<512xf32, #tpu.memory_space<vmem>>)
    %dma_wait3A_244 = arith.constant 64 : i32
    %dma_wait3A_245 = arith.constant 512 : i32
    %dma_wait3A_246 = tpu.memref_slice %arg4[%dma_wait3A_245] : memref<13312xf32, #tpu.memory_space<vmem>> -> memref<512xf32, #tpu.memory_space<vmem>>
    %dma_wait3A_247 = tpu.memref_slice %arg2[%dma_wait3A_244, %mul3A_2] : memref<1664x16384xf32, #tpu.memory_space<hbm>> -> memref<1x512xf32, #tpu.memory_space<hbm>>
    %dma_wait3A_248 = tpu.memref_squeeze %dma_wait3A_247 : memref<1x512xf32, #tpu.memory_space<hbm>> -> memref<512xf32, #tpu.memory_space<hbm>>
    %dma_wait3A_249 = arith.constant 512 : i32
    %dma_wait3A_250 = tpu.memref_slice %arg4[%dma_wait3A_249] : memref<13312xf32, #tpu.memory_space<vmem>> -> memref<512xf32, #tpu.memory_space<vmem>>
    %dma_wait3A_251 = tpu.memref_slice %arg2[%dma_wait3A_244, %mul3A_2] : memref<1664x16384xf32, #tpu.memory_space<hbm>> -> memref<1x512xf32, #tpu.memory_space<hbm>>
    %dma_wait3A_252 = tpu.memref_squeeze %dma_wait3A_251 : memref<1x512xf32, #tpu.memory_space<hbm>> -> memref<512xf32, #tpu.memory_space<hbm>>
    tpu.wait_dma2 semaphore(%arg7 : memref<!tpu.dma_semaphore, #tpu.memory_space<semaphore_mem>>) src(%dma_wait3A_252 : memref<512xf32, #tpu.memory_space<hbm>>) dst(%dma_wait3A_250 : memref<512xf32, #tpu.memory_space<vmem>>)
    %dma_wait3A_253 = arith.constant 128 : i32
    %dma_wait3A_254 = arith.constant 1024 : i32
    %dma_wait3A_255 = tpu.memref_slice %arg4[%dma_wait3A_254] : memref<13312xf32, #tpu.memory_space<vmem>> -> memref<512xf32, #tpu.memory_space<vmem>>
    %dma_wait3A_256 = tpu.memref_slice %arg2[%dma_wait3A_253, %mul3A_2] : memref<1664x16384xf32, #tpu.memory_space<hbm>> -> memref<1x512xf32, #tpu.memory_space<hbm>>
    %dma_wait3A_257 = tpu.memref_squeeze %dma_wait3A_256 : memref<1x512xf32, #tpu.memory_space<hbm>> -> memref<512xf32, #tpu.memory_space<hbm>>
    %dma_wait3A_258 = arith.constant 1024 : i32
    %dma_wait3A_259 = tpu.memref_slice %arg4[%dma_wait3A_258] : memref<13312xf32, #tpu.memory_space<vmem>> -> memref<512xf32, #tpu.memory_space<vmem>>
    %dma_wait3A_260 = tpu.memref_slice %arg2[%dma_wait3A_253, %mul3A_2] : memref<1664x16384xf32, #tpu.memory_space<hbm>> -> memref<1x512xf32, #tpu.memory_space<hbm>>
    %dma_wait3A_261 = tpu.memref_squeeze %dma_wait3A_260 : memref<1x512xf32, #tpu.memory_space<hbm>> -> memref<512xf32, #tpu.memory_space<hbm>>
    tpu.wait_dma2 semaphore(%arg7 : memref<!tpu.dma_semaphore, #tpu.memory_space<semaphore_mem>>) src(%dma_wait3A_261 : memref<512xf32, #tpu.memory_space<hbm>>) dst(%dma_wait3A_259 : memref<512xf32, #tpu.memory_space<vmem>>)
    %dma_wait3A_262 = arith.constant 192 : i32
    %dma_wait3A_263 = arith.constant 1536 : i32
    %dma_wait3A_264 = tpu.memref_slice %arg4[%dma_wait3A_263] : memref<13312xf32, #tpu.memory_space<vmem>> -> memref<512xf32, #tpu.memory_space<vmem>>
    %dma_wait3A_265 = tpu.memref_slice %arg2[%dma_wait3A_262, %mul3A_2] : memref<1664x16384xf32, #tpu.memory_space<hbm>> -> memref<1x512xf32, #tpu.memory_space<hbm>>
    %dma_wait3A_266 = tpu.memref_squeeze %dma_wait3A_265 : memref<1x512xf32, #tpu.memory_space<hbm>> -> memref<512xf32, #tpu.memory_space<hbm>>
    %dma_wait3A_267 = arith.constant 1536 : i32
    %dma_wait3A_268 = tpu.memref_slice %arg4[%dma_wait3A_267] : memref<13312xf32, #tpu.memory_space<vmem>> -> memref<512xf32, #tpu.memory_space<vmem>>
    %dma_wait3A_269 = tpu.memref_slice %arg2[%dma_wait3A_262, %mul3A_2] : memref<1664x16384xf32, #tpu.memory_space<hbm>> -> memref<1x512xf32, #tpu.memory_space<hbm>>
    %dma_wait3A_270 = tpu.memref_squeeze %dma_wait3A_269 : memref<1x512xf32, #tpu.memory_space<hbm>> -> memref<512xf32, #tpu.memory_space<hbm>>
    tpu.wait_dma2 semaphore(%arg7 : memref<!tpu.dma_semaphore, #tpu.memory_space<semaphore_mem>>) src(%dma_wait3A_270 : memref<512xf32, #tpu.memory_space<hbm>>) dst(%dma_wait3A_268 : memref<512xf32, #tpu.memory_space<vmem>>)
    %dma_wait3A_271 = arith.constant 256 : i32
    %dma_wait3A_272 = arith.constant 2048 : i32
    %dma_wait3A_273 = tpu.memref_slice %arg4[%dma_wait3A_272] : memref<13312xf32, #tpu.memory_space<vmem>> -> memref<512xf32, #tpu.memory_space<vmem>>
    %dma_wait3A_274 = tpu.memref_slice %arg2[%dma_wait3A_271, %mul3A_2] : memref<1664x16384xf32, #tpu.memory_space<hbm>> -> memref<1x512xf32, #tpu.memory_space<hbm>>
    %dma_wait3A_275 = tpu.memref_squeeze %dma_wait3A_274 : memref<1x512xf32, #tpu.memory_space<hbm>> -> memref<512xf32, #tpu.memory_space<hbm>>
    %dma_wait3A_276 = arith.constant 2048 : i32
    %dma_wait3A_277 = tpu.memref_slice %arg4[%dma_wait3A_276] : memref<13312xf32, #tpu.memory_space<vmem>> -> memref<512xf32, #tpu.memory_space<vmem>>
    %dma_wait3A_278 = tpu.memref_slice %arg2[%dma_wait3A_271, %mul3A_2] : memref<1664x16384xf32, #tpu.memory_space<hbm>> -> memref<1x512xf32, #tpu.memory_space<hbm>>
    %dma_wait3A_279 = tpu.memref_squeeze %dma_wait3A_278 : memref<1x512xf32, #tpu.memory_space<hbm>> -> memref<512xf32, #tpu.memory_space<hbm>>
    tpu.wait_dma2 semaphore(%arg7 : memref<!tpu.dma_semaphore, #tpu.memory_space<semaphore_mem>>) src(%dma_wait3A_279 : memref<512xf32, #tpu.memory_space<hbm>>) dst(%dma_wait3A_277 : memref<512xf32, #tpu.memory_space<vmem>>)
    %dma_wait3A_280 = arith.constant 320 : i32
    %dma_wait3A_281 = arith.constant 2560 : i32
    %dma_wait3A_282 = tpu.memref_slice %arg4[%dma_wait3A_281] : memref<13312xf32, #tpu.memory_space<vmem>> -> memref<512xf32, #tpu.memory_space<vmem>>
    %dma_wait3A_283 = tpu.memref_slice %arg2[%dma_wait3A_280, %mul3A_2] : memref<1664x16384xf32, #tpu.memory_space<hbm>> -> memref<1x512xf32, #tpu.memory_space<hbm>>
    %dma_wait3A_284 = tpu.memref_squeeze %dma_wait3A_283 : memref<1x512xf32, #tpu.memory_space<hbm>> -> memref<512xf32, #tpu.memory_space<hbm>>
    %dma_wait3A_285 = arith.constant 2560 : i32
    %dma_wait3A_286 = tpu.memref_slice %arg4[%dma_wait3A_285] : memref<13312xf32, #tpu.memory_space<vmem>> -> memref<512xf32, #tpu.memory_space<vmem>>
    %dma_wait3A_287 = tpu.memref_slice %arg2[%dma_wait3A_280, %mul3A_2] : memref<1664x16384xf32, #tpu.memory_space<hbm>> -> memref<1x512xf32, #tpu.memory_space<hbm>>
    %dma_wait3A_288 = tpu.memref_squeeze %dma_wait3A_287 : memref<1x512xf32, #tpu.memory_space<hbm>> -> memref<512xf32, #tpu.memory_space<hbm>>
    tpu.wait_dma2 semaphore(%arg7 : memref<!tpu.dma_semaphore, #tpu.memory_space<semaphore_mem>>) src(%dma_wait3A_288 : memref<512xf32, #tpu.memory_space<hbm>>) dst(%dma_wait3A_286 : memref<512xf32, #tpu.memory_space<vmem>>)
    %dma_wait3A_289 = arith.constant 384 : i32
    %dma_wait3A_290 = arith.constant 3072 : i32
    %dma_wait3A_291 = tpu.memref_slice %arg4[%dma_wait3A_290] : memref<13312xf32, #tpu.memory_space<vmem>> -> memref<512xf32, #tpu.memory_space<vmem>>
    %dma_wait3A_292 = tpu.memref_slice %arg2[%dma_wait3A_289, %mul3A_2] : memref<1664x16384xf32, #tpu.memory_space<hbm>> -> memref<1x512xf32, #tpu.memory_space<hbm>>
    %dma_wait3A_293 = tpu.memref_squeeze %dma_wait3A_292 : memref<1x512xf32, #tpu.memory_space<hbm>> -> memref<512xf32, #tpu.memory_space<hbm>>
    %dma_wait3A_294 = arith.constant 3072 : i32
    %dma_wait3A_295 = tpu.memref_slice %arg4[%dma_wait3A_294] : memref<13312xf32, #tpu.memory_space<vmem>> -> memref<512xf32, #tpu.memory_space<vmem>>
    %dma_wait3A_296 = tpu.memref_slice %arg2[%dma_wait3A_289, %mul3A_2] : memref<1664x16384xf32, #tpu.memory_space<hbm>> -> memref<1x512xf32, #tpu.memory_space<hbm>>
    %dma_wait3A_297 = tpu.memref_squeeze %dma_wait3A_296 : memref<1x512xf32, #tpu.memory_space<hbm>> -> memref<512xf32, #tpu.memory_space<hbm>>
    tpu.wait_dma2 semaphore(%arg7 : memref<!tpu.dma_semaphore, #tpu.memory_space<semaphore_mem>>) src(%dma_wait3A_297 : memref<512xf32, #tpu.memory_space<hbm>>) dst(%dma_wait3A_295 : memref<512xf32, #tpu.memory_space<vmem>>)
    %dma_wait3A_298 = arith.constant 448 : i32
    %dma_wait3A_299 = arith.constant 3584 : i32
    %dma_wait3A_300 = tpu.memref_slice %arg4[%dma_wait3A_299] : memref<13312xf32, #tpu.memory_space<vmem>> -> memref<512xf32, #tpu.memory_space<vmem>>
    %dma_wait3A_301 = tpu.memref_slice %arg2[%dma_wait3A_298, %mul3A_2] : memref<1664x16384xf32, #tpu.memory_space<hbm>> -> memref<1x512xf32, #tpu.memory_space<hbm>>
    %dma_wait3A_302 = tpu.memref_squeeze %dma_wait3A_301 : memref<1x512xf32, #tpu.memory_space<hbm>> -> memref<512xf32, #tpu.memory_space<hbm>>
    %dma_wait3A_303 = arith.constant 3584 : i32
    %dma_wait3A_304 = tpu.memref_slice %arg4[%dma_wait3A_303] : memref<13312xf32, #tpu.memory_space<vmem>> -> memref<512xf32, #tpu.memory_space<vmem>>
    %dma_wait3A_305 = tpu.memref_slice %arg2[%dma_wait3A_298, %mul3A_2] : memref<1664x16384xf32, #tpu.memory_space<hbm>> -> memref<1x512xf32, #tpu.memory_space<hbm>>
    %dma_wait3A_306 = tpu.memref_squeeze %dma_wait3A_305 : memref<1x512xf32, #tpu.memory_space<hbm>> -> memref<512xf32, #tpu.memory_space<hbm>>
    tpu.wait_dma2 semaphore(%arg7 : memref<!tpu.dma_semaphore, #tpu.memory_space<semaphore_mem>>) src(%dma_wait3A_306 : memref<512xf32, #tpu.memory_space<hbm>>) dst(%dma_wait3A_304 : memref<512xf32, #tpu.memory_space<vmem>>)
    %dma_wait3A_307 = arith.constant 512 : i32
    %dma_wait3A_308 = arith.constant 4096 : i32
    %dma_wait3A_309 = tpu.memref_slice %arg4[%dma_wait3A_308] : memref<13312xf32, #tpu.memory_space<vmem>> -> memref<512xf32, #tpu.memory_space<vmem>>
    %dma_wait3A_310 = tpu.memref_slice %arg2[%dma_wait3A_307, %mul3A_2] : memref<1664x16384xf32, #tpu.memory_space<hbm>> -> memref<1x512xf32, #tpu.memory_space<hbm>>
    %dma_wait3A_311 = tpu.memref_squeeze %dma_wait3A_310 : memref<1x512xf32, #tpu.memory_space<hbm>> -> memref<512xf32, #tpu.memory_space<hbm>>
    %dma_wait3A_312 = arith.constant 4096 : i32
    %dma_wait3A_313 = tpu.memref_slice %arg4[%dma_wait3A_312] : memref<13312xf32, #tpu.memory_space<vmem>> -> memref<512xf32, #tpu.memory_space<vmem>>
    %dma_wait3A_314 = tpu.memref_slice %arg2[%dma_wait3A_307, %mul3A_2] : memref<1664x16384xf32, #tpu.memory_space<hbm>> -> memref<1x512xf32, #tpu.memory_space<hbm>>
    %dma_wait3A_315 = tpu.memref_squeeze %dma_wait3A_314 : memref<1x512xf32, #tpu.memory_space<hbm>> -> memref<512xf32, #tpu.memory_space<hbm>>
    tpu.wait_dma2 semaphore(%arg7 : memref<!tpu.dma_semaphore, #tpu.memory_space<semaphore_mem>>) src(%dma_wait3A_315 : memref<512xf32, #tpu.memory_space<hbm>>) dst(%dma_wait3A_313 : memref<512xf32, #tpu.memory_space<vmem>>)
    %dma_wait3A_316 = arith.constant 576 : i32
    %dma_wait3A_317 = arith.constant 4608 : i32
    %dma_wait3A_318 = tpu.memref_slice %arg4[%dma_wait3A_317] : memref<13312xf32, #tpu.memory_space<vmem>> -> memref<512xf32, #tpu.memory_space<vmem>>
    %dma_wait3A_319 = tpu.memref_slice %arg2[%dma_wait3A_316, %mul3A_2] : memref<1664x16384xf32, #tpu.memory_space<hbm>> -> memref<1x512xf32, #tpu.memory_space<hbm>>
    %dma_wait3A_320 = tpu.memref_squeeze %dma_wait3A_319 : memref<1x512xf32, #tpu.memory_space<hbm>> -> memref<512xf32, #tpu.memory_space<hbm>>
    %dma_wait3A_321 = arith.constant 4608 : i32
    %dma_wait3A_322 = tpu.memref_slice %arg4[%dma_wait3A_321] : memref<13312xf32, #tpu.memory_space<vmem>> -> memref<512xf32, #tpu.memory_space<vmem>>
    %dma_wait3A_323 = tpu.memref_slice %arg2[%dma_wait3A_316, %mul3A_2] : memref<1664x16384xf32, #tpu.memory_space<hbm>> -> memref<1x512xf32, #tpu.memory_space<hbm>>
    %dma_wait3A_324 = tpu.memref_squeeze %dma_wait3A_323 : memref<1x512xf32, #tpu.memory_space<hbm>> -> memref<512xf32, #tpu.memory_space<hbm>>
    tpu.wait_dma2 semaphore(%arg7 : memref<!tpu.dma_semaphore, #tpu.memory_space<semaphore_mem>>) src(%dma_wait3A_324 : memref<512xf32, #tpu.memory_space<hbm>>) dst(%dma_wait3A_322 : memref<512xf32, #tpu.memory_space<vmem>>)
    %dma_wait3A_325 = arith.constant 640 : i32
    %dma_wait3A_326 = arith.constant 5120 : i32
    %dma_wait3A_327 = tpu.memref_slice %arg4[%dma_wait3A_326] : memref<13312xf32, #tpu.memory_space<vmem>> -> memref<512xf32, #tpu.memory_space<vmem>>
    %dma_wait3A_328 = tpu.memref_slice %arg2[%dma_wait3A_325, %mul3A_2] : memref<1664x16384xf32, #tpu.memory_space<hbm>> -> memref<1x512xf32, #tpu.memory_space<hbm>>
    %dma_wait3A_329 = tpu.memref_squeeze %dma_wait3A_328 : memref<1x512xf32, #tpu.memory_space<hbm>> -> memref<512xf32, #tpu.memory_space<hbm>>
    %dma_wait3A_330 = arith.constant 5120 : i32
    %dma_wait3A_331 = tpu.memref_slice %arg4[%dma_wait3A_330] : memref<13312xf32, #tpu.memory_space<vmem>> -> memref<512xf32, #tpu.memory_space<vmem>>
    %dma_wait3A_332 = tpu.memref_slice %arg2[%dma_wait3A_325, %mul3A_2] : memref<1664x16384xf32, #tpu.memory_space<hbm>> -> memref<1x512xf32, #tpu.memory_space<hbm>>
    %dma_wait3A_333 = tpu.memref_squeeze %dma_wait3A_332 : memref<1x512xf32, #tpu.memory_space<hbm>> -> memref<512xf32, #tpu.memory_space<hbm>>
    tpu.wait_dma2 semaphore(%arg7 : memref<!tpu.dma_semaphore, #tpu.memory_space<semaphore_mem>>) src(%dma_wait3A_333 : memref<512xf32, #tpu.memory_space<hbm>>) dst(%dma_wait3A_331 : memref<512xf32, #tpu.memory_space<vmem>>)
    %dma_wait3A_334 = arith.constant 704 : i32
    %dma_wait3A_335 = arith.constant 5632 : i32
    %dma_wait3A_336 = tpu.memref_slice %arg4[%dma_wait3A_335] : memref<13312xf32, #tpu.memory_space<vmem>> -> memref<512xf32, #tpu.memory_space<vmem>>
    %dma_wait3A_337 = tpu.memref_slice %arg2[%dma_wait3A_334, %mul3A_2] : memref<1664x16384xf32, #tpu.memory_space<hbm>> -> memref<1x512xf32, #tpu.memory_space<hbm>>
    %dma_wait3A_338 = tpu.memref_squeeze %dma_wait3A_337 : memref<1x512xf32, #tpu.memory_space<hbm>> -> memref<512xf32, #tpu.memory_space<hbm>>
    %dma_wait3A_339 = arith.constant 5632 : i32
    %dma_wait3A_340 = tpu.memref_slice %arg4[%dma_wait3A_339] : memref<13312xf32, #tpu.memory_space<vmem>> -> memref<512xf32, #tpu.memory_space<vmem>>
    %dma_wait3A_341 = tpu.memref_slice %arg2[%dma_wait3A_334, %mul3A_2] : memref<1664x16384xf32, #tpu.memory_space<hbm>> -> memref<1x512xf32, #tpu.memory_space<hbm>>
    %dma_wait3A_342 = tpu.memref_squeeze %dma_wait3A_341 : memref<1x512xf32, #tpu.memory_space<hbm>> -> memref<512xf32, #tpu.memory_space<hbm>>
    tpu.wait_dma2 semaphore(%arg7 : memref<!tpu.dma_semaphore, #tpu.memory_space<semaphore_mem>>) src(%dma_wait3A_342 : memref<512xf32, #tpu.memory_space<hbm>>) dst(%dma_wait3A_340 : memref<512xf32, #tpu.memory_space<vmem>>)
    %dma_wait3A_343 = arith.constant 768 : i32
    %dma_wait3A_344 = arith.constant 6144 : i32
    %dma_wait3A_345 = tpu.memref_slice %arg4[%dma_wait3A_344] : memref<13312xf32, #tpu.memory_space<vmem>> -> memref<512xf32, #tpu.memory_space<vmem>>
    %dma_wait3A_346 = tpu.memref_slice %arg2[%dma_wait3A_343, %mul3A_2] : memref<1664x16384xf32, #tpu.memory_space<hbm>> -> memref<1x512xf32, #tpu.memory_space<hbm>>
    %dma_wait3A_347 = tpu.memref_squeeze %dma_wait3A_346 : memref<1x512xf32, #tpu.memory_space<hbm>> -> memref<512xf32, #tpu.memory_space<hbm>>
    %dma_wait3A_348 = arith.constant 6144 : i32
    %dma_wait3A_349 = tpu.memref_slice %arg4[%dma_wait3A_348] : memref<13312xf32, #tpu.memory_space<vmem>> -> memref<512xf32, #tpu.memory_space<vmem>>
    %dma_wait3A_350 = tpu.memref_slice %arg2[%dma_wait3A_343, %mul3A_2] : memref<1664x16384xf32, #tpu.memory_space<hbm>> -> memref<1x512xf32, #tpu.memory_space<hbm>>
    %dma_wait3A_351 = tpu.memref_squeeze %dma_wait3A_350 : memref<1x512xf32, #tpu.memory_space<hbm>> -> memref<512xf32, #tpu.memory_space<hbm>>
    tpu.wait_dma2 semaphore(%arg7 : memref<!tpu.dma_semaphore, #tpu.memory_space<semaphore_mem>>) src(%dma_wait3A_351 : memref<512xf32, #tpu.memory_space<hbm>>) dst(%dma_wait3A_349 : memref<512xf32, #tpu.memory_space<vmem>>)
    %dma_wait3A_352 = arith.constant 832 : i32
    %dma_wait3A_353 = arith.constant 6656 : i32
    %dma_wait3A_354 = tpu.memref_slice %arg4[%dma_wait3A_353] : memref<13312xf32, #tpu.memory_space<vmem>> -> memref<512xf32, #tpu.memory_space<vmem>>
    %dma_wait3A_355 = tpu.memref_slice %arg2[%dma_wait3A_352, %mul3A_2] : memref<1664x16384xf32, #tpu.memory_space<hbm>> -> memref<1x512xf32, #tpu.memory_space<hbm>>
    %dma_wait3A_356 = tpu.memref_squeeze %dma_wait3A_355 : memref<1x512xf32, #tpu.memory_space<hbm>> -> memref<512xf32, #tpu.memory_space<hbm>>
    %dma_wait3A_357 = arith.constant 6656 : i32
    %dma_wait3A_358 = tpu.memref_slice %arg4[%dma_wait3A_357] : memref<13312xf32, #tpu.memory_space<vmem>> -> memref<512xf32, #tpu.memory_space<vmem>>
    %dma_wait3A_359 = tpu.memref_slice %arg2[%dma_wait3A_352, %mul3A_2] : memref<1664x16384xf32, #tpu.memory_space<hbm>> -> memref<1x512xf32, #tpu.memory_space<hbm>>
    %dma_wait3A_360 = tpu.memref_squeeze %dma_wait3A_359 : memref<1x512xf32, #tpu.memory_space<hbm>> -> memref<512xf32, #tpu.memory_space<hbm>>
    tpu.wait_dma2 semaphore(%arg7 : memref<!tpu.dma_semaphore, #tpu.memory_space<semaphore_mem>>) src(%dma_wait3A_360 : memref<512xf32, #tpu.memory_space<hbm>>) dst(%dma_wait3A_358 : memref<512xf32, #tpu.memory_space<vmem>>)
    %dma_wait3A_361 = arith.constant 896 : i32
    %dma_wait3A_362 = arith.constant 7168 : i32
    %dma_wait3A_363 = tpu.memref_slice %arg4[%dma_wait3A_362] : memref<13312xf32, #tpu.memory_space<vmem>> -> memref<512xf32, #tpu.memory_space<vmem>>
    %dma_wait3A_364 = tpu.memref_slice %arg2[%dma_wait3A_361, %mul3A_2] : memref<1664x16384xf32, #tpu.memory_space<hbm>> -> memref<1x512xf32, #tpu.memory_space<hbm>>
    %dma_wait3A_365 = tpu.memref_squeeze %dma_wait3A_364 : memref<1x512xf32, #tpu.memory_space<hbm>> -> memref<512xf32, #tpu.memory_space<hbm>>
    %dma_wait3A_366 = arith.constant 7168 : i32
    %dma_wait3A_367 = tpu.memref_slice %arg4[%dma_wait3A_366] : memref<13312xf32, #tpu.memory_space<vmem>> -> memref<512xf32, #tpu.memory_space<vmem>>
    %dma_wait3A_368 = tpu.memref_slice %arg2[%dma_wait3A_361, %mul3A_2] : memref<1664x16384xf32, #tpu.memory_space<hbm>> -> memref<1x512xf32, #tpu.memory_space<hbm>>
    %dma_wait3A_369 = tpu.memref_squeeze %dma_wait3A_368 : memref<1x512xf32, #tpu.memory_space<hbm>> -> memref<512xf32, #tpu.memory_space<hbm>>
    tpu.wait_dma2 semaphore(%arg7 : memref<!tpu.dma_semaphore, #tpu.memory_space<semaphore_mem>>) src(%dma_wait3A_369 : memref<512xf32, #tpu.memory_space<hbm>>) dst(%dma_wait3A_367 : memref<512xf32, #tpu.memory_space<vmem>>)
    %dma_wait3A_370 = arith.constant 960 : i32
    %dma_wait3A_371 = arith.constant 7680 : i32
    %dma_wait3A_372 = tpu.memref_slice %arg4[%dma_wait3A_371] : memref<13312xf32, #tpu.memory_space<vmem>> -> memref<512xf32, #tpu.memory_space<vmem>>
    %dma_wait3A_373 = tpu.memref_slice %arg2[%dma_wait3A_370, %mul3A_2] : memref<1664x16384xf32, #tpu.memory_space<hbm>> -> memref<1x512xf32, #tpu.memory_space<hbm>>
    %dma_wait3A_374 = tpu.memref_squeeze %dma_wait3A_373 : memref<1x512xf32, #tpu.memory_space<hbm>> -> memref<512xf32, #tpu.memory_space<hbm>>
    %dma_wait3A_375 = arith.constant 7680 : i32
    %dma_wait3A_376 = tpu.memref_slice %arg4[%dma_wait3A_375] : memref<13312xf32, #tpu.memory_space<vmem>> -> memref<512xf32, #tpu.memory_space<vmem>>
    %dma_wait3A_377 = tpu.memref_slice %arg2[%dma_wait3A_370, %mul3A_2] : memref<1664x16384xf32, #tpu.memory_space<hbm>> -> memref<1x512xf32, #tpu.memory_space<hbm>>
    %dma_wait3A_378 = tpu.memref_squeeze %dma_wait3A_377 : memref<1x512xf32, #tpu.memory_space<hbm>> -> memref<512xf32, #tpu.memory_space<hbm>>
    tpu.wait_dma2 semaphore(%arg7 : memref<!tpu.dma_semaphore, #tpu.memory_space<semaphore_mem>>) src(%dma_wait3A_378 : memref<512xf32, #tpu.memory_space<hbm>>) dst(%dma_wait3A_376 : memref<512xf32, #tpu.memory_space<vmem>>)
    %dma_wait3A_379 = arith.constant 1024 : i32
    %dma_wait3A_380 = arith.constant 8192 : i32
    %dma_wait3A_381 = tpu.memref_slice %arg4[%dma_wait3A_380] : memref<13312xf32, #tpu.memory_space<vmem>> -> memref<512xf32, #tpu.memory_space<vmem>>
    %dma_wait3A_382 = tpu.memref_slice %arg2[%dma_wait3A_379, %mul3A_2] : memref<1664x16384xf32, #tpu.memory_space<hbm>> -> memref<1x512xf32, #tpu.memory_space<hbm>>
    %dma_wait3A_383 = tpu.memref_squeeze %dma_wait3A_382 : memref<1x512xf32, #tpu.memory_space<hbm>> -> memref<512xf32, #tpu.memory_space<hbm>>
    %dma_wait3A_384 = arith.constant 8192 : i32
    %dma_wait3A_385 = tpu.memref_slice %arg4[%dma_wait3A_384] : memref<13312xf32, #tpu.memory_space<vmem>> -> memref<512xf32, #tpu.memory_space<vmem>>
    %dma_wait3A_386 = tpu.memref_slice %arg2[%dma_wait3A_379, %mul3A_2] : memref<1664x16384xf32, #tpu.memory_space<hbm>> -> memref<1x512xf32, #tpu.memory_space<hbm>>
    %dma_wait3A_387 = tpu.memref_squeeze %dma_wait3A_386 : memref<1x512xf32, #tpu.memory_space<hbm>> -> memref<512xf32, #tpu.memory_space<hbm>>
    tpu.wait_dma2 semaphore(%arg7 : memref<!tpu.dma_semaphore, #tpu.memory_space<semaphore_mem>>) src(%dma_wait3A_387 : memref<512xf32, #tpu.memory_space<hbm>>) dst(%dma_wait3A_385 : memref<512xf32, #tpu.memory_space<vmem>>)
    %dma_wait3A_388 = arith.constant 1088 : i32
    %dma_wait3A_389 = arith.constant 8704 : i32
    %dma_wait3A_390 = tpu.memref_slice %arg4[%dma_wait3A_389] : memref<13312xf32, #tpu.memory_space<vmem>> -> memref<512xf32, #tpu.memory_space<vmem>>
    %dma_wait3A_391 = tpu.memref_slice %arg2[%dma_wait3A_388, %mul3A_2] : memref<1664x16384xf32, #tpu.memory_space<hbm>> -> memref<1x512xf32, #tpu.memory_space<hbm>>
    %dma_wait3A_392 = tpu.memref_squeeze %dma_wait3A_391 : memref<1x512xf32, #tpu.memory_space<hbm>> -> memref<512xf32, #tpu.memory_space<hbm>>
    %dma_wait3A_393 = arith.constant 8704 : i32
    %dma_wait3A_394 = tpu.memref_slice %arg4[%dma_wait3A_393] : memref<13312xf32, #tpu.memory_space<vmem>> -> memref<512xf32, #tpu.memory_space<vmem>>
    %dma_wait3A_395 = tpu.memref_slice %arg2[%dma_wait3A_388, %mul3A_2] : memref<1664x16384xf32, #tpu.memory_space<hbm>> -> memref<1x512xf32, #tpu.memory_space<hbm>>
    %dma_wait3A_396 = tpu.memref_squeeze %dma_wait3A_395 : memref<1x512xf32, #tpu.memory_space<hbm>> -> memref<512xf32, #tpu.memory_space<hbm>>
    tpu.wait_dma2 semaphore(%arg7 : memref<!tpu.dma_semaphore, #tpu.memory_space<semaphore_mem>>) src(%dma_wait3A_396 : memref<512xf32, #tpu.memory_space<hbm>>) dst(%dma_wait3A_394 : memref<512xf32, #tpu.memory_space<vmem>>)
    %dma_wait3A_397 = arith.constant 1152 : i32
    %dma_wait3A_398 = arith.constant 9216 : i32
    %dma_wait3A_399 = tpu.memref_slice %arg4[%dma_wait3A_398] : memref<13312xf32, #tpu.memory_space<vmem>> -> memref<512xf32, #tpu.memory_space<vmem>>
    %dma_wait3A_400 = tpu.memref_slice %arg2[%dma_wait3A_397, %mul3A_2] : memref<1664x16384xf32, #tpu.memory_space<hbm>> -> memref<1x512xf32, #tpu.memory_space<hbm>>
    %dma_wait3A_401 = tpu.memref_squeeze %dma_wait3A_400 : memref<1x512xf32, #tpu.memory_space<hbm>> -> memref<512xf32, #tpu.memory_space<hbm>>
    %dma_wait3A_402 = arith.constant 9216 : i32
    %dma_wait3A_403 = tpu.memref_slice %arg4[%dma_wait3A_402] : memref<13312xf32, #tpu.memory_space<vmem>> -> memref<512xf32, #tpu.memory_space<vmem>>
    %dma_wait3A_404 = tpu.memref_slice %arg2[%dma_wait3A_397, %mul3A_2] : memref<1664x16384xf32, #tpu.memory_space<hbm>> -> memref<1x512xf32, #tpu.memory_space<hbm>>
    %dma_wait3A_405 = tpu.memref_squeeze %dma_wait3A_404 : memref<1x512xf32, #tpu.memory_space<hbm>> -> memref<512xf32, #tpu.memory_space<hbm>>
    tpu.wait_dma2 semaphore(%arg7 : memref<!tpu.dma_semaphore, #tpu.memory_space<semaphore_mem>>) src(%dma_wait3A_405 : memref<512xf32, #tpu.memory_space<hbm>>) dst(%dma_wait3A_403 : memref<512xf32, #tpu.memory_space<vmem>>)
    %dma_wait3A_406 = arith.constant 1216 : i32
    %dma_wait3A_407 = arith.constant 9728 : i32
    %dma_wait3A_408 = tpu.memref_slice %arg4[%dma_wait3A_407] : memref<13312xf32, #tpu.memory_space<vmem>> -> memref<512xf32, #tpu.memory_space<vmem>>
    %dma_wait3A_409 = tpu.memref_slice %arg2[%dma_wait3A_406, %mul3A_2] : memref<1664x16384xf32, #tpu.memory_space<hbm>> -> memref<1x512xf32, #tpu.memory_space<hbm>>
    %dma_wait3A_410 = tpu.memref_squeeze %dma_wait3A_409 : memref<1x512xf32, #tpu.memory_space<hbm>> -> memref<512xf32, #tpu.memory_space<hbm>>
    %dma_wait3A_411 = arith.constant 9728 : i32
    %dma_wait3A_412 = tpu.memref_slice %arg4[%dma_wait3A_411] : memref<13312xf32, #tpu.memory_space<vmem>> -> memref<512xf32, #tpu.memory_space<vmem>>
    %dma_wait3A_413 = tpu.memref_slice %arg2[%dma_wait3A_406, %mul3A_2] : memref<1664x16384xf32, #tpu.memory_space<hbm>> -> memref<1x512xf32, #tpu.memory_space<hbm>>
    %dma_wait3A_414 = tpu.memref_squeeze %dma_wait3A_413 : memref<1x512xf32, #tpu.memory_space<hbm>> -> memref<512xf32, #tpu.memory_space<hbm>>
    tpu.wait_dma2 semaphore(%arg7 : memref<!tpu.dma_semaphore, #tpu.memory_space<semaphore_mem>>) src(%dma_wait3A_414 : memref<512xf32, #tpu.memory_space<hbm>>) dst(%dma_wait3A_412 : memref<512xf32, #tpu.memory_space<vmem>>)
    %dma_wait3A_415 = arith.constant 1280 : i32
    %dma_wait3A_416 = arith.constant 10240 : i32
    %dma_wait3A_417 = tpu.memref_slice %arg4[%dma_wait3A_416] : memref<13312xf32, #tpu.memory_space<vmem>> -> memref<512xf32, #tpu.memory_space<vmem>>
    %dma_wait3A_418 = tpu.memref_slice %arg2[%dma_wait3A_415, %mul3A_2] : memref<1664x16384xf32, #tpu.memory_space<hbm>> -> memref<1x512xf32, #tpu.memory_space<hbm>>
    %dma_wait3A_419 = tpu.memref_squeeze %dma_wait3A_418 : memref<1x512xf32, #tpu.memory_space<hbm>> -> memref<512xf32, #tpu.memory_space<hbm>>
    %dma_wait3A_420 = arith.constant 10240 : i32
    %dma_wait3A_421 = tpu.memref_slice %arg4[%dma_wait3A_420] : memref<13312xf32, #tpu.memory_space<vmem>> -> memref<512xf32, #tpu.memory_space<vmem>>
    %dma_wait3A_422 = tpu.memref_slice %arg2[%dma_wait3A_415, %mul3A_2] : memref<1664x16384xf32, #tpu.memory_space<hbm>> -> memref<1x512xf32, #tpu.memory_space<hbm>>
    %dma_wait3A_423 = tpu.memref_squeeze %dma_wait3A_422 : memref<1x512xf32, #tpu.memory_space<hbm>> -> memref<512xf32, #tpu.memory_space<hbm>>
    tpu.wait_dma2 semaphore(%arg7 : memref<!tpu.dma_semaphore, #tpu.memory_space<semaphore_mem>>) src(%dma_wait3A_423 : memref<512xf32, #tpu.memory_space<hbm>>) dst(%dma_wait3A_421 : memref<512xf32, #tpu.memory_space<vmem>>)
    %dma_wait3A_424 = arith.constant 1344 : i32
    %dma_wait3A_425 = arith.constant 10752 : i32
    %dma_wait3A_426 = tpu.memref_slice %arg4[%dma_wait3A_425] : memref<13312xf32, #tpu.memory_space<vmem>> -> memref<512xf32, #tpu.memory_space<vmem>>
    %dma_wait3A_427 = tpu.memref_slice %arg2[%dma_wait3A_424, %mul3A_2] : memref<1664x16384xf32, #tpu.memory_space<hbm>> -> memref<1x512xf32, #tpu.memory_space<hbm>>
    %dma_wait3A_428 = tpu.memref_squeeze %dma_wait3A_427 : memref<1x512xf32, #tpu.memory_space<hbm>> -> memref<512xf32, #tpu.memory_space<hbm>>
    %dma_wait3A_429 = arith.constant 10752 : i32
    %dma_wait3A_430 = tpu.memref_slice %arg4[%dma_wait3A_429] : memref<13312xf32, #tpu.memory_space<vmem>> -> memref<512xf32, #tpu.memory_space<vmem>>
    %dma_wait3A_431 = tpu.memref_slice %arg2[%dma_wait3A_424, %mul3A_2] : memref<1664x16384xf32, #tpu.memory_space<hbm>> -> memref<1x512xf32, #tpu.memory_space<hbm>>
    %dma_wait3A_432 = tpu.memref_squeeze %dma_wait3A_431 : memref<1x512xf32, #tpu.memory_space<hbm>> -> memref<512xf32, #tpu.memory_space<hbm>>
    tpu.wait_dma2 semaphore(%arg7 : memref<!tpu.dma_semaphore, #tpu.memory_space<semaphore_mem>>) src(%dma_wait3A_432 : memref<512xf32, #tpu.memory_space<hbm>>) dst(%dma_wait3A_430 : memref<512xf32, #tpu.memory_space<vmem>>)
    %dma_wait3A_433 = arith.constant 1408 : i32
    %dma_wait3A_434 = arith.constant 11264 : i32
    %dma_wait3A_435 = tpu.memref_slice %arg4[%dma_wait3A_434] : memref<13312xf32, #tpu.memory_space<vmem>> -> memref<512xf32, #tpu.memory_space<vmem>>
    %dma_wait3A_436 = tpu.memref_slice %arg2[%dma_wait3A_433, %mul3A_2] : memref<1664x16384xf32, #tpu.memory_space<hbm>> -> memref<1x512xf32, #tpu.memory_space<hbm>>
    %dma_wait3A_437 = tpu.memref_squeeze %dma_wait3A_436 : memref<1x512xf32, #tpu.memory_space<hbm>> -> memref<512xf32, #tpu.memory_space<hbm>>
    %dma_wait3A_438 = arith.constant 11264 : i32
    %dma_wait3A_439 = tpu.memref_slice %arg4[%dma_wait3A_438] : memref<13312xf32, #tpu.memory_space<vmem>> -> memref<512xf32, #tpu.memory_space<vmem>>
    %dma_wait3A_440 = tpu.memref_slice %arg2[%dma_wait3A_433, %mul3A_2] : memref<1664x16384xf32, #tpu.memory_space<hbm>> -> memref<1x512xf32, #tpu.memory_space<hbm>>
    %dma_wait3A_441 = tpu.memref_squeeze %dma_wait3A_440 : memref<1x512xf32, #tpu.memory_space<hbm>> -> memref<512xf32, #tpu.memory_space<hbm>>
    tpu.wait_dma2 semaphore(%arg7 : memref<!tpu.dma_semaphore, #tpu.memory_space<semaphore_mem>>) src(%dma_wait3A_441 : memref<512xf32, #tpu.memory_space<hbm>>) dst(%dma_wait3A_439 : memref<512xf32, #tpu.memory_space<vmem>>)
    %dma_wait3A_442 = arith.constant 1472 : i32
    %dma_wait3A_443 = arith.constant 11776 : i32
    %dma_wait3A_444 = tpu.memref_slice %arg4[%dma_wait3A_443] : memref<13312xf32, #tpu.memory_space<vmem>> -> memref<512xf32, #tpu.memory_space<vmem>>
    %dma_wait3A_445 = tpu.memref_slice %arg2[%dma_wait3A_442, %mul3A_2] : memref<1664x16384xf32, #tpu.memory_space<hbm>> -> memref<1x512xf32, #tpu.memory_space<hbm>>
    %dma_wait3A_446 = tpu.memref_squeeze %dma_wait3A_445 : memref<1x512xf32, #tpu.memory_space<hbm>> -> memref<512xf32, #tpu.memory_space<hbm>>
    %dma_wait3A_447 = arith.constant 11776 : i32
    %dma_wait3A_448 = tpu.memref_slice %arg4[%dma_wait3A_447] : memref<13312xf32, #tpu.memory_space<vmem>> -> memref<512xf32, #tpu.memory_space<vmem>>
    %dma_wait3A_449 = tpu.memref_slice %arg2[%dma_wait3A_442, %mul3A_2] : memref<1664x16384xf32, #tpu.memory_space<hbm>> -> memref<1x512xf32, #tpu.memory_space<hbm>>
    %dma_wait3A_450 = tpu.memref_squeeze %dma_wait3A_449 : memref<1x512xf32, #tpu.memory_space<hbm>> -> memref<512xf32, #tpu.memory_space<hbm>>
    tpu.wait_dma2 semaphore(%arg7 : memref<!tpu.dma_semaphore, #tpu.memory_space<semaphore_mem>>) src(%dma_wait3A_450 : memref<512xf32, #tpu.memory_space<hbm>>) dst(%dma_wait3A_448 : memref<512xf32, #tpu.memory_space<vmem>>)
    %dma_wait3A_451 = arith.constant 1536 : i32
    %dma_wait3A_452 = arith.constant 12288 : i32
    %dma_wait3A_453 = tpu.memref_slice %arg4[%dma_wait3A_452] : memref<13312xf32, #tpu.memory_space<vmem>> -> memref<512xf32, #tpu.memory_space<vmem>>
    %dma_wait3A_454 = tpu.memref_slice %arg2[%dma_wait3A_451, %mul3A_2] : memref<1664x16384xf32, #tpu.memory_space<hbm>> -> memref<1x512xf32, #tpu.memory_space<hbm>>
    %dma_wait3A_455 = tpu.memref_squeeze %dma_wait3A_454 : memref<1x512xf32, #tpu.memory_space<hbm>> -> memref<512xf32, #tpu.memory_space<hbm>>
    %dma_wait3A_456 = arith.constant 12288 : i32
    %dma_wait3A_457 = tpu.memref_slice %arg4[%dma_wait3A_456] : memref<13312xf32, #tpu.memory_space<vmem>> -> memref<512xf32, #tpu.memory_space<vmem>>
    %dma_wait3A_458 = tpu.memref_slice %arg2[%dma_wait3A_451, %mul3A_2] : memref<1664x16384xf32, #tpu.memory_space<hbm>> -> memref<1x512xf32, #tpu.memory_space<hbm>>
    %dma_wait3A_459 = tpu.memref_squeeze %dma_wait3A_458 : memref<1x512xf32, #tpu.memory_space<hbm>> -> memref<512xf32, #tpu.memory_space<hbm>>
    tpu.wait_dma2 semaphore(%arg7 : memref<!tpu.dma_semaphore, #tpu.memory_space<semaphore_mem>>) src(%dma_wait3A_459 : memref<512xf32, #tpu.memory_space<hbm>>) dst(%dma_wait3A_457 : memref<512xf32, #tpu.memory_space<vmem>>)
    %dma_wait3A_460 = arith.constant 1600 : i32
    %dma_wait3A_461 = arith.constant 12800 : i32
    %dma_wait3A_462 = tpu.memref_slice %arg4[%dma_wait3A_461] : memref<13312xf32, #tpu.memory_space<vmem>> -> memref<512xf32, #tpu.memory_space<vmem>>
    %dma_wait3A_463 = tpu.memref_slice %arg2[%dma_wait3A_460, %mul3A_2] : memref<1664x16384xf32, #tpu.memory_space<hbm>> -> memref<1x512xf32, #tpu.memory_space<hbm>>
    %dma_wait3A_464 = tpu.memref_squeeze %dma_wait3A_463 : memref<1x512xf32, #tpu.memory_space<hbm>> -> memref<512xf32, #tpu.memory_space<hbm>>
    %dma_wait3A_465 = arith.constant 12800 : i32
    %dma_wait3A_466 = tpu.memref_slice %arg4[%dma_wait3A_465] : memref<13312xf32, #tpu.memory_space<vmem>> -> memref<512xf32, #tpu.memory_space<vmem>>
    %dma_wait3A_467 = tpu.memref_slice %arg2[%dma_wait3A_460, %mul3A_2] : memref<1664x16384xf32, #tpu.memory_space<hbm>> -> memref<1x512xf32, #tpu.memory_space<hbm>>
    %dma_wait3A_468 = tpu.memref_squeeze %dma_wait3A_467 : memref<1x512xf32, #tpu.memory_space<hbm>> -> memref<512xf32, #tpu.memory_space<hbm>>
    tpu.wait_dma2 semaphore(%arg7 : memref<!tpu.dma_semaphore, #tpu.memory_space<semaphore_mem>>) src(%dma_wait3A_468 : memref<512xf32, #tpu.memory_space<hbm>>) dst(%dma_wait3A_466 : memref<512xf32, #tpu.memory_space<vmem>>)
    %scan3A = arith.constant 0 : i32
    %scan3A_469 = arith.constant 0 : i32
    %scan3A_470 = arith.constant 32 : i32
    %scan3A_471 = arith.addi %scan3A_469, %scan3A_470 : i32
    %scan3A_472 = arith.constant 1 : i32
    scf.for %scan3A_494 = %scan3A_469 to %scan3A_471 step %scan3A_472  : i32 {
      %mul3A_495 = arith.constant 16 : i32
      %mul3A_496 = arith.muli %scan3A_494, %mul3A_495 : i32
      %multiple_of3A = tpu.assume_multiple %mul3A_496, 16 : i32
      %broadcast_in_dim3A = arith.constant 0.000000e+00 : f32
      %broadcast_in_dim3A_497 = vector.broadcast %broadcast_in_dim3A : f32 to vector<16xf32>
      %broadcast_in_dim3A_498 = arith.constant 0.000000e+00 : f32
      %broadcast_in_dim3A_499 = vector.broadcast %broadcast_in_dim3A_498 : f32 to vector<16xf32>
      %broadcast_in_dim3A_500 = arith.constant 1.000000e+00 : f32
      %broadcast_in_dim3A_501 = vector.broadcast %broadcast_in_dim3A_500 : f32 to vector<16xf32>
      %broadcast_in_dim3A_502 = arith.constant 1.000000e+00 : f32
      %broadcast_in_dim3A_503 = vector.broadcast %broadcast_in_dim3A_502 : f32 to vector<16xf32>
      %add3A_504 = arith.constant 0 : i32
      %add3A_505 = arith.addi %add3A_504, %multiple_of3A : i32
      %get3A = arith.index_cast %add3A_505 : i32 to index
      %get3A_506 = tpu.vector_load %arg4[%get3A] {strides = array<i32>} : memref<13312xf32, #tpu.memory_space<vmem>>, vector<16xf32>,
      %get3A_507 = vector.shape_cast %get3A_506 : vector<16xf32> to vector<16xf32>
      %max3A = arith.maximumf %broadcast_in_dim3A_497, %get3A_507 : vector<16xf32>
      %min3A = arith.minimumf %broadcast_in_dim3A_501, %get3A_507 : vector<16xf32>
      %add3A_508 = arith.constant 512 : i32
      %add3A_509 = arith.addi %add3A_508, %multiple_of3A : i32
      %get3A_510 = arith.index_cast %add3A_509 : i32 to index
      %get3A_511 = tpu.vector_load %arg4[%get3A_510] {strides = array<i32>} : memref<13312xf32, #tpu.memory_space<vmem>>, vector<16xf32>,
      %get3A_512 = vector.shape_cast %get3A_511 : vector<16xf32> to vector<16xf32>
      %max3A_513 = arith.maximumf %broadcast_in_dim3A_499, %get3A_512 : vector<16xf32>
      %min3A_514 = arith.minimumf %broadcast_in_dim3A_503, %get3A_512 : vector<16xf32>
      %add3A_515 = arith.constant 1024 : i32
      %add3A_516 = arith.addi %add3A_515, %multiple_of3A : i32
      %get3A_517 = arith.index_cast %add3A_516 : i32 to index
      %get3A_518 = tpu.vector_load %arg4[%get3A_517] {strides = array<i32>} : memref<13312xf32, #tpu.memory_space<vmem>>, vector<16xf32>,
      %get3A_519 = vector.shape_cast %get3A_518 : vector<16xf32> to vector<16xf32>
      %max3A_520 = arith.maximumf %max3A, %get3A_519 : vector<16xf32>
      %min3A_521 = arith.minimumf %min3A, %get3A_519 : vector<16xf32>
      %add3A_522 = arith.constant 1536 : i32
      %add3A_523 = arith.addi %add3A_522, %multiple_of3A : i32
      %get3A_524 = arith.index_cast %add3A_523 : i32 to index
      %get3A_525 = tpu.vector_load %arg4[%get3A_524] {strides = array<i32>} : memref<13312xf32, #tpu.memory_space<vmem>>, vector<16xf32>,
      %get3A_526 = vector.shape_cast %get3A_525 : vector<16xf32> to vector<16xf32>
      %max3A_527 = arith.maximumf %max3A_513, %get3A_526 : vector<16xf32>
      %min3A_528 = arith.minimumf %min3A_514, %get3A_526 : vector<16xf32>
      %add3A_529 = arith.constant 2048 : i32
      %add3A_530 = arith.addi %add3A_529, %multiple_of3A : i32
      %get3A_531 = arith.index_cast %add3A_530 : i32 to index
      %get3A_532 = tpu.vector_load %arg4[%get3A_531] {strides = array<i32>} : memref<13312xf32, #tpu.memory_space<vmem>>, vector<16xf32>,
      %get3A_533 = vector.shape_cast %get3A_532 : vector<16xf32> to vector<16xf32>
      %max3A_534 = arith.maximumf %max3A_520, %get3A_533 : vector<16xf32>
      %min3A_535 = arith.minimumf %min3A_521, %get3A_533 : vector<16xf32>
      %add3A_536 = arith.constant 2560 : i32
      %add3A_537 = arith.addi %add3A_536, %multiple_of3A : i32
      %get3A_538 = arith.index_cast %add3A_537 : i32 to index
      %get3A_539 = tpu.vector_load %arg4[%get3A_538] {strides = array<i32>} : memref<13312xf32, #tpu.memory_space<vmem>>, vector<16xf32>,
      %get3A_540 = vector.shape_cast %get3A_539 : vector<16xf32> to vector<16xf32>
      %max3A_541 = arith.maximumf %max3A_527, %get3A_540 : vector<16xf32>
      %min3A_542 = arith.minimumf %min3A_528, %get3A_540 : vector<16xf32>
      %add3A_543 = arith.constant 3072 : i32
      %add3A_544 = arith.addi %add3A_543, %multiple_of3A : i32
      %get3A_545 = arith.index_cast %add3A_544 : i32 to index
      %get3A_546 = tpu.vector_load %arg4[%get3A_545] {strides = array<i32>} : memref<13312xf32, #tpu.memory_space<vmem>>, vector<16xf32>,
      %get3A_547 = vector.shape_cast %get3A_546 : vector<16xf32> to vector<16xf32>
      %max3A_548 = arith.maximumf %max3A_534, %get3A_547 : vector<16xf32>
      %min3A_549 = arith.minimumf %min3A_535, %get3A_547 : vector<16xf32>
      %add3A_550 = arith.constant 3584 : i32
      %add3A_551 = arith.addi %add3A_550, %multiple_of3A : i32
      %get3A_552 = arith.index_cast %add3A_551 : i32 to index
      %get3A_553 = tpu.vector_load %arg4[%get3A_552] {strides = array<i32>} : memref<13312xf32, #tpu.memory_space<vmem>>, vector<16xf32>,
      %get3A_554 = vector.shape_cast %get3A_553 : vector<16xf32> to vector<16xf32>
      %max3A_555 = arith.maximumf %max3A_541, %get3A_554 : vector<16xf32>
      %min3A_556 = arith.minimumf %min3A_542, %get3A_554 : vector<16xf32>
      %add3A_557 = arith.constant 4096 : i32
      %add3A_558 = arith.addi %add3A_557, %multiple_of3A : i32
      %get3A_559 = arith.index_cast %add3A_558 : i32 to index
      %get3A_560 = tpu.vector_load %arg4[%get3A_559] {strides = array<i32>} : memref<13312xf32, #tpu.memory_space<vmem>>, vector<16xf32>,
      %get3A_561 = vector.shape_cast %get3A_560 : vector<16xf32> to vector<16xf32>
      %max3A_562 = arith.maximumf %max3A_548, %get3A_561 : vector<16xf32>
      %min3A_563 = arith.minimumf %min3A_549, %get3A_561 : vector<16xf32>
      %add3A_564 = arith.constant 4608 : i32
      %add3A_565 = arith.addi %add3A_564, %multiple_of3A : i32
      %get3A_566 = arith.index_cast %add3A_565 : i32 to index
      %get3A_567 = tpu.vector_load %arg4[%get3A_566] {strides = array<i32>} : memref<13312xf32, #tpu.memory_space<vmem>>, vector<16xf32>,
      %get3A_568 = vector.shape_cast %get3A_567 : vector<16xf32> to vector<16xf32>
      %max3A_569 = arith.maximumf %max3A_555, %get3A_568 : vector<16xf32>
      %min3A_570 = arith.minimumf %min3A_556, %get3A_568 : vector<16xf32>
      %add3A_571 = arith.constant 5120 : i32
      %add3A_572 = arith.addi %add3A_571, %multiple_of3A : i32
      %get3A_573 = arith.index_cast %add3A_572 : i32 to index
      %get3A_574 = tpu.vector_load %arg4[%get3A_573] {strides = array<i32>} : memref<13312xf32, #tpu.memory_space<vmem>>, vector<16xf32>,
      %get3A_575 = vector.shape_cast %get3A_574 : vector<16xf32> to vector<16xf32>
      %max3A_576 = arith.maximumf %max3A_562, %get3A_575 : vector<16xf32>
      %min3A_577 = arith.minimumf %min3A_563, %get3A_575 : vector<16xf32>
      %add3A_578 = arith.constant 5632 : i32
      %add3A_579 = arith.addi %add3A_578, %multiple_of3A : i32
      %get3A_580 = arith.index_cast %add3A_579 : i32 to index
      %get3A_581 = tpu.vector_load %arg4[%get3A_580] {strides = array<i32>} : memref<13312xf32, #tpu.memory_space<vmem>>, vector<16xf32>,
      %get3A_582 = vector.shape_cast %get3A_581 : vector<16xf32> to vector<16xf32>
      %max3A_583 = arith.maximumf %max3A_569, %get3A_582 : vector<16xf32>
      %min3A_584 = arith.minimumf %min3A_570, %get3A_582 : vector<16xf32>
      %add3A_585 = arith.constant 6144 : i32
      %add3A_586 = arith.addi %add3A_585, %multiple_of3A : i32
      %get3A_587 = arith.index_cast %add3A_586 : i32 to index
      %get3A_588 = tpu.vector_load %arg4[%get3A_587] {strides = array<i32>} : memref<13312xf32, #tpu.memory_space<vmem>>, vector<16xf32>,
      %get3A_589 = vector.shape_cast %get3A_588 : vector<16xf32> to vector<16xf32>
      %max3A_590 = arith.maximumf %max3A_576, %get3A_589 : vector<16xf32>
      %min3A_591 = arith.minimumf %min3A_577, %get3A_589 : vector<16xf32>
      %add3A_592 = arith.constant 6656 : i32
      %add3A_593 = arith.addi %add3A_592, %multiple_of3A : i32
      %get3A_594 = arith.index_cast %add3A_593 : i32 to index
      %get3A_595 = tpu.vector_load %arg4[%get3A_594] {strides = array<i32>} : memref<13312xf32, #tpu.memory_space<vmem>>, vector<16xf32>,
      %get3A_596 = vector.shape_cast %get3A_595 : vector<16xf32> to vector<16xf32>
      %max3A_597 = arith.maximumf %max3A_583, %get3A_596 : vector<16xf32>
      %min3A_598 = arith.minimumf %min3A_584, %get3A_596 : vector<16xf32>
      %add3A_599 = arith.constant 7168 : i32
      %add3A_600 = arith.addi %add3A_599, %multiple_of3A : i32
      %get3A_601 = arith.index_cast %add3A_600 : i32 to index
      %get3A_602 = tpu.vector_load %arg4[%get3A_601] {strides = array<i32>} : memref<13312xf32, #tpu.memory_space<vmem>>, vector<16xf32>,
      %get3A_603 = vector.shape_cast %get3A_602 : vector<16xf32> to vector<16xf32>
      %max3A_604 = arith.maximumf %max3A_590, %get3A_603 : vector<16xf32>
      %min3A_605 = arith.minimumf %min3A_591, %get3A_603 : vector<16xf32>
      %add3A_606 = arith.constant 7680 : i32
      %add3A_607 = arith.addi %add3A_606, %multiple_of3A : i32
      %get3A_608 = arith.index_cast %add3A_607 : i32 to index
      %get3A_609 = tpu.vector_load %arg4[%get3A_608] {strides = array<i32>} : memref<13312xf32, #tpu.memory_space<vmem>>, vector<16xf32>,
      %get3A_610 = vector.shape_cast %get3A_609 : vector<16xf32> to vector<16xf32>
      %max3A_611 = arith.maximumf %max3A_597, %get3A_610 : vector<16xf32>
      %min3A_612 = arith.minimumf %min3A_598, %get3A_610 : vector<16xf32>
      %add3A_613 = arith.constant 8192 : i32
      %add3A_614 = arith.addi %add3A_613, %multiple_of3A : i32
      %get3A_615 = arith.index_cast %add3A_614 : i32 to index
      %get3A_616 = tpu.vector_load %arg4[%get3A_615] {strides = array<i32>} : memref<13312xf32, #tpu.memory_space<vmem>>, vector<16xf32>,
      %get3A_617 = vector.shape_cast %get3A_616 : vector<16xf32> to vector<16xf32>
      %max3A_618 = arith.maximumf %max3A_604, %get3A_617 : vector<16xf32>
      %min3A_619 = arith.minimumf %min3A_605, %get3A_617 : vector<16xf32>
      %add3A_620 = arith.constant 8704 : i32
      %add3A_621 = arith.addi %add3A_620, %multiple_of3A : i32
      %get3A_622 = arith.index_cast %add3A_621 : i32 to index
      %get3A_623 = tpu.vector_load %arg4[%get3A_622] {strides = array<i32>} : memref<13312xf32, #tpu.memory_space<vmem>>, vector<16xf32>,
      %get3A_624 = vector.shape_cast %get3A_623 : vector<16xf32> to vector<16xf32>
      %max3A_625 = arith.maximumf %max3A_611, %get3A_624 : vector<16xf32>
      %min3A_626 = arith.minimumf %min3A_612, %get3A_624 : vector<16xf32>
      %add3A_627 = arith.constant 9216 : i32
      %add3A_628 = arith.addi %add3A_627, %multiple_of3A : i32
      %get3A_629 = arith.index_cast %add3A_628 : i32 to index
      %get3A_630 = tpu.vector_load %arg4[%get3A_629] {strides = array<i32>} : memref<13312xf32, #tpu.memory_space<vmem>>, vector<16xf32>,
      %get3A_631 = vector.shape_cast %get3A_630 : vector<16xf32> to vector<16xf32>
      %max3A_632 = arith.maximumf %max3A_618, %get3A_631 : vector<16xf32>
      %min3A_633 = arith.minimumf %min3A_619, %get3A_631 : vector<16xf32>
      %add3A_634 = arith.constant 9728 : i32
      %add3A_635 = arith.addi %add3A_634, %multiple_of3A : i32
      %get3A_636 = arith.index_cast %add3A_635 : i32 to index
      %get3A_637 = tpu.vector_load %arg4[%get3A_636] {strides = array<i32>} : memref<13312xf32, #tpu.memory_space<vmem>>, vector<16xf32>,
      %get3A_638 = vector.shape_cast %get3A_637 : vector<16xf32> to vector<16xf32>
      %max3A_639 = arith.maximumf %max3A_625, %get3A_638 : vector<16xf32>
      %min3A_640 = arith.minimumf %min3A_626, %get3A_638 : vector<16xf32>
      %add3A_641 = arith.constant 10240 : i32
      %add3A_642 = arith.addi %add3A_641, %multiple_of3A : i32
      %get3A_643 = arith.index_cast %add3A_642 : i32 to index
      %get3A_644 = tpu.vector_load %arg4[%get3A_643] {strides = array<i32>} : memref<13312xf32, #tpu.memory_space<vmem>>, vector<16xf32>,
      %get3A_645 = vector.shape_cast %get3A_644 : vector<16xf32> to vector<16xf32>
      %max3A_646 = arith.maximumf %max3A_632, %get3A_645 : vector<16xf32>
      %min3A_647 = arith.minimumf %min3A_633, %get3A_645 : vector<16xf32>
      %add3A_648 = arith.constant 10752 : i32
      %add3A_649 = arith.addi %add3A_648, %multiple_of3A : i32
      %get3A_650 = arith.index_cast %add3A_649 : i32 to index
      %get3A_651 = tpu.vector_load %arg4[%get3A_650] {strides = array<i32>} : memref<13312xf32, #tpu.memory_space<vmem>>, vector<16xf32>,
      %get3A_652 = vector.shape_cast %get3A_651 : vector<16xf32> to vector<16xf32>
      %max3A_653 = arith.maximumf %max3A_639, %get3A_652 : vector<16xf32>
      %min3A_654 = arith.minimumf %min3A_640, %get3A_652 : vector<16xf32>
      %add3A_655 = arith.constant 11264 : i32
      %add3A_656 = arith.addi %add3A_655, %multiple_of3A : i32
      %get3A_657 = arith.index_cast %add3A_656 : i32 to index
      %get3A_658 = tpu.vector_load %arg4[%get3A_657] {strides = array<i32>} : memref<13312xf32, #tpu.memory_space<vmem>>, vector<16xf32>,
      %get3A_659 = vector.shape_cast %get3A_658 : vector<16xf32> to vector<16xf32>
      %max3A_660 = arith.maximumf %max3A_646, %get3A_659 : vector<16xf32>
      %min3A_661 = arith.minimumf %min3A_647, %get3A_659 : vector<16xf32>
      %add3A_662 = arith.constant 11776 : i32
      %add3A_663 = arith.addi %add3A_662, %multiple_of3A : i32
      %get3A_664 = arith.index_cast %add3A_663 : i32 to index
      %get3A_665 = tpu.vector_load %arg4[%get3A_664] {strides = array<i32>} : memref<13312xf32, #tpu.memory_space<vmem>>, vector<16xf32>,
      %get3A_666 = vector.shape_cast %get3A_665 : vector<16xf32> to vector<16xf32>
      %max3A_667 = arith.maximumf %max3A_653, %get3A_666 : vector<16xf32>
      %min3A_668 = arith.minimumf %min3A_654, %get3A_666 : vector<16xf32>
      %add3A_669 = arith.constant 12288 : i32
      %add3A_670 = arith.addi %add3A_669, %multiple_of3A : i32
      %get3A_671 = arith.index_cast %add3A_670 : i32 to index
      %get3A_672 = tpu.vector_load %arg4[%get3A_671] {strides = array<i32>} : memref<13312xf32, #tpu.memory_space<vmem>>, vector<16xf32>,
      %get3A_673 = vector.shape_cast %get3A_672 : vector<16xf32> to vector<16xf32>
      %max3A_674 = arith.maximumf %max3A_660, %get3A_673 : vector<16xf32>
      %min3A_675 = arith.minimumf %min3A_661, %get3A_673 : vector<16xf32>
      %add3A_676 = arith.constant 12800 : i32
      %add3A_677 = arith.addi %add3A_676, %multiple_of3A : i32
      %get3A_678 = arith.index_cast %add3A_677 : i32 to index
      %get3A_679 = tpu.vector_load %arg4[%get3A_678] {strides = array<i32>} : memref<13312xf32, #tpu.memory_space<vmem>>, vector<16xf32>,
      %get3A_680 = vector.shape_cast %get3A_679 : vector<16xf32> to vector<16xf32>
      %max3A_681 = arith.maximumf %max3A_667, %get3A_680 : vector<16xf32>
      %min3A_682 = arith.minimumf %min3A_668, %get3A_680 : vector<16xf32>
      %max3A_683 = arith.maximumf %max3A_674, %max3A_681 : vector<16xf32>
      %min3A_684 = arith.minimumf %min3A_675, %min3A_682 : vector<16xf32>
      %le3A = arith.constant 5.000000e-01 : f32
      %le3A_685 = vector.broadcast %le3A : f32 to vector<16xf32>
      %le3A_686 = arith.cmpf ole, %min3A_684, %le3A_685 : vector<16xf32>
      %jit3A = arith.constant 1.000000e+00 : f32
      %jit3A_687 = arith.constant 0.000000e+00 : f32
      %broadcast_in_dim3A_688 = vector.broadcast %jit3A : f32 to vector<16xf32>
      %broadcast_in_dim3A_689 = vector.broadcast %jit3A_687 : f32 to vector<16xf32>
      %select_n3A = arith.select %le3A_686, %broadcast_in_dim3A_688, %broadcast_in_dim3A_689 : vector<16xi1>, vector<16xf32>
      %swap3A = arith.index_cast %multiple_of3A : i32 to index
      %swap3A_690 = tpu.vector_load %arg5[%swap3A] {strides = array<i32>} : memref<512xf32, #tpu.memory_space<vmem>>, vector<16xf32>,
      %swap3A_691 = vector.shape_cast %swap3A_690 : vector<16xf32> to vector<16xf32>
      %swap3A_692 = vector.shape_cast %select_n3A : vector<16xf32> to vector<16xf32>
      tpu.vector_store %arg5[%swap3A], %swap3A_692 {strides = array<i32>} : memref<512xf32, #tpu.memory_space<vmem>>, vector<16xf32>,
      %gt3A = arith.constant 5.000000e-01 : f32
      %gt3A_693 = vector.broadcast %gt3A : f32 to vector<16xf32>
      %gt3A_694 = arith.cmpf ogt, %max3A_683, %gt3A_693 : vector<16xf32>
      %jit3A_695 = arith.constant 1.000000e+00 : f32
      %jit3A_696 = arith.constant 0.000000e+00 : f32
      %broadcast_in_dim3A_697 = vector.broadcast %jit3A_695 : f32 to vector<16xf32>
      %broadcast_in_dim3A_698 = vector.broadcast %jit3A_696 : f32 to vector<16xf32>
      %select_n3A_699 = arith.select %gt3A_694, %broadcast_in_dim3A_697, %broadcast_in_dim3A_698 : vector<16xi1>, vector<16xf32>
      %swap3A_700 = arith.index_cast %multiple_of3A : i32 to index
      %swap3A_701 = tpu.vector_load %arg6[%swap3A_700] {strides = array<i32>} : memref<512xf32, #tpu.memory_space<vmem>>, vector<16xf32>,
      %swap3A_702 = vector.shape_cast %swap3A_701 : vector<16xf32> to vector<16xf32>
      %swap3A_703 = vector.shape_cast %select_n3A_699 : vector<16xf32> to vector<16xf32>
      tpu.vector_store %arg6[%swap3A_700], %swap3A_703 {strides = array<i32>} : memref<512xf32, #tpu.memory_space<vmem>>, vector<16xf32>,
    }
    %scan3A_473 = arith.constant 32 : i32
    %dma_start3A_474 = arith.constant 0 : i32
    %dma_start3A_475 = tpu.memref_slice %arg3[%dma_start3A_474, %mul3A_2] : memref<2x16384xf32, #tpu.memory_space<hbm>> -> memref<1x512xf32, #tpu.memory_space<hbm>>
    %dma_start3A_476 = tpu.memref_squeeze %dma_start3A_475 : memref<1x512xf32, #tpu.memory_space<hbm>> -> memref<512xf32, #tpu.memory_space<hbm>>
    %dma_start3A_477 = tpu.memref_slice %arg3[%dma_start3A_474, %mul3A_2] : memref<2x16384xf32, #tpu.memory_space<hbm>> -> memref<1x512xf32, #tpu.memory_space<hbm>>
    %dma_start3A_478 = tpu.memref_squeeze %dma_start3A_477 : memref<1x512xf32, #tpu.memory_space<hbm>> -> memref<512xf32, #tpu.memory_space<hbm>>
    tpu.enqueue_dma source(%arg5 : memref<512xf32, #tpu.memory_space<vmem>>) target(%dma_start3A_478 : memref<512xf32, #tpu.memory_space<hbm>>) target_semaphore(%arg7 : memref<!tpu.dma_semaphore, #tpu.memory_space<semaphore_mem>>)
    %dma_start3A_479 = arith.constant 1 : i32
    %dma_start3A_480 = tpu.memref_slice %arg3[%dma_start3A_479, %mul3A_2] : memref<2x16384xf32, #tpu.memory_space<hbm>> -> memref<1x512xf32, #tpu.memory_space<hbm>>
    %dma_start3A_481 = tpu.memref_squeeze %dma_start3A_480 : memref<1x512xf32, #tpu.memory_space<hbm>> -> memref<512xf32, #tpu.memory_space<hbm>>
    %dma_start3A_482 = tpu.memref_slice %arg3[%dma_start3A_479, %mul3A_2] : memref<2x16384xf32, #tpu.memory_space<hbm>> -> memref<1x512xf32, #tpu.memory_space<hbm>>
    %dma_start3A_483 = tpu.memref_squeeze %dma_start3A_482 : memref<1x512xf32, #tpu.memory_space<hbm>> -> memref<512xf32, #tpu.memory_space<hbm>>
    tpu.enqueue_dma source(%arg6 : memref<512xf32, #tpu.memory_space<vmem>>) target(%dma_start3A_483 : memref<512xf32, #tpu.memory_space<hbm>>) target_semaphore(%arg7 : memref<!tpu.dma_semaphore, #tpu.memory_space<semaphore_mem>>)
    %dma_wait3A_484 = arith.constant 0 : i32
    %dma_wait3A_485 = tpu.memref_slice %arg3[%dma_wait3A_484, %mul3A_2] : memref<2x16384xf32, #tpu.memory_space<hbm>> -> memref<1x512xf32, #tpu.memory_space<hbm>>
    %dma_wait3A_486 = tpu.memref_squeeze %dma_wait3A_485 : memref<1x512xf32, #tpu.memory_space<hbm>> -> memref<512xf32, #tpu.memory_space<hbm>>
    %dma_wait3A_487 = tpu.memref_slice %arg3[%dma_wait3A_484, %mul3A_2] : memref<2x16384xf32, #tpu.memory_space<hbm>> -> memref<1x512xf32, #tpu.memory_space<hbm>>
    %dma_wait3A_488 = tpu.memref_squeeze %dma_wait3A_487 : memref<1x512xf32, #tpu.memory_space<hbm>> -> memref<512xf32, #tpu.memory_space<hbm>>
    tpu.wait_dma2 semaphore(%arg7 : memref<!tpu.dma_semaphore, #tpu.memory_space<semaphore_mem>>) src(%arg5 : memref<512xf32, #tpu.memory_space<vmem>>) dst(%dma_wait3A_488 : memref<512xf32, #tpu.memory_space<hbm>>)
    %dma_wait3A_489 = arith.constant 1 : i32
    %dma_wait3A_490 = tpu.memref_slice %arg3[%dma_wait3A_489, %mul3A_2] : memref<2x16384xf32, #tpu.memory_space<hbm>> -> memref<1x512xf32, #tpu.memory_space<hbm>>
    %dma_wait3A_491 = tpu.memref_squeeze %dma_wait3A_490 : memref<1x512xf32, #tpu.memory_space<hbm>> -> memref<512xf32, #tpu.memory_space<hbm>>
    %dma_wait3A_492 = tpu.memref_slice %arg3[%dma_wait3A_489, %mul3A_2] : memref<2x16384xf32, #tpu.memory_space<hbm>> -> memref<1x512xf32, #tpu.memory_space<hbm>>
    %dma_wait3A_493 = tpu.memref_squeeze %dma_wait3A_492 : memref<1x512xf32, #tpu.memory_space<hbm>> -> memref<512xf32, #tpu.memory_space<hbm>>
    tpu.wait_dma2 semaphore(%arg7 : memref<!tpu.dma_semaphore, #tpu.memory_space<semaphore_mem>>) src(%arg6 : memref<512xf32, #tpu.memory_space<vmem>>) dst(%dma_wait3A_493 : memref<512xf32, #tpu.memory_space<hbm>>)
    return
  }
}

</mosaic_0001>

<sc_bundles>
// kernel: kernel.3.cloned.1.call-start
scs
__scs_entry_jumppad:
0x0: {  	(pc) =	sbr.rel $0x88, $3  }
0x1: {  	(tag) =	ssettag $0x0;
	lr =	simm.s32 $0x1  }
0x2: {  	[smem:$0x3FA0] =	sst lr;
	_ =	strace $0xD0000000  }
0x3: {  	_ = 	snop  }
0x4: {  	_ = 	snop  }
0x5: {  	_ = 	snop  }
0x6: {  	_ = 	snop  }
0x7: {  	_ = 	snop  }
__scs_overlays_trampoline_lowered:
0x8: {  	[smem:$0x3FAF] =	sst s0  }
0x9: {  	[smem:$0x3FB0] =	sst s1  }
0xa: {  	[smem:$0x3FB1] =	sst s2  }
0xb: {  	[smem:$0x3FB2] =	sst s3  }
0xc: {  	[smem:$0x3FB3] =	sst s4  }
0xd: {  	[smem:$0x3FB4] =	sst s5  }
0xe: {  	[smem:$0x3FB5] =	sst s6  }
0xf: {  	[smem:$0x3FB6] =	sst s7  }
0x10: {  	[smem:$0x3FB7] =	sst s8  }
0x11: {  	[smem:$0x3FB8] =	sst s9;
	s0 =	simm.s32 @!p0 $0x0  }
0x12: {  	s1 =	sld [smem:$0x3F9E];
	s0 =	simm.s32 @p0 $0x1  }
0x13: {  	[smem:$0x3FB9] =	sst s0;
	s0 =	simm.s32 @!p1 $0x0  }
0x14: {  	s2 =	sld [smem:$0x3F9D];
	s0 =	simm.s32 @p1 $0x1  }
0x15: {  	[smem:$0x3FBA] =	sst s0;
	s0 =	simm.s32 @!p2 $0x0  }
0x16: {  	s3 =	sld [smem:$0x3FDB];
	s0 =	simm.s32 @p2 $0x1  }
0x17: {  	s4 =	simm.s32 $0x1BF5;
	[smem:$0x3FBC] =	sst s0  }
0x18: {  	s0 =	sld [smem:$0x3F9F];
	_ =	swait.ge [sflag:s4], $0x0  }
0x19: {  	s7 =	sld [smem:$0x3FA0]  }
0x1a: {  	s8 =	sadd.s32 $0xFFFFE003, lr  }
0x1b: {  	s9 =	sadd.s32 $0xFFFFFEF7, lr;
	s5 =	simm.s32 $0xFFFFFFFF;
	p2 =	slt.u32 s8, $0xFFFFF086  }
0x1c: {  	p1 =	slt.u32 s9, $0xF7A;
	s5 =	simm.s32 @!p2 $0x0  }
0x1d: {  	s5 =	simm.s32 @p1 $0x1;
	p0 =	seq.s32 s7, s2  }
0x1e: {  	s7 =	smul.u32 @!p0 $0xF7A, s2;
	p2 =	seq.s32 @!p0 s5, $0x0  }
0x1f: {  	s9 =	smul.u32 $0xF7A, s1;
	s8 =	simm.s32 @!p0 $0x1BF5;
	p2 =	por !p2, p0  }
0x20: {  	[sflag:s8] =	ssyncset.s32 @!p0 $0xFFFFF086;
	s6 =	sadd.s32 @!p0 s3, s7;
	s7 =	simm.s32 @!p0 $0x108  }
0x21: {  	s3 =	sadd.s32 s3, s9;
	s6 =	sadd.s32 @!p0 $0x88, s6;
	s7 =	simm.s32 @p2 $0x1082  }
0x22: {  	[simem:s7], [sflag:s8] =	dma.local @!p0 [hbm:s6], $0xF7A  }
0x23: {  	s9 =	sor.u32 $0xD0000000, s2;
	s6 =	simm.s32 $0x108;
	_ =	swait.ge @!p0 [sflag:s8], $0x0  }
0x24: {  	s3 =	sadd.s32 $0x88, s3;
	s6 =	simm.s32 @!p1 $0x1082;
	[sflag:s4] =	ssyncset.s32 $0xFFFFF086  }
0x25: {  	[simem:s6], [sflag:s4] =	dma.local [hbm:s3], $0xF7A  }
0x26: {  	[smem:$0x3FA0] =	sst s1;
	(tag) =	ssettag s2;
	_ =	strace s9  }
0x27: {  	s1 =	sld [smem:$0x3FB0]  }
0x28: {  	s2 =	sld [smem:$0x3FB1]  }
0x29: {  	s4 =	sld [smem:$0x3FB3]  }
0x2a: {  	p0 =	seq.s32 s5, $0x0;
	s5 =	sld [smem:$0x3FB4]  }
0x2b: {  	s6 =	sld [smem:$0x3FB5]  }
0x2c: {  	s7 =	sld [smem:$0x3FB6]  }
0x2d: {  	s3 =	simm.s32 $0x108;
	s8 =	sld [smem:$0x3FB7]  }
0x2e: {  	s3 =	simm.s32 @!p0 $0x1082;
	s9 =	sld [smem:$0x3FB8]  }
0x2f: {  	lr =	sadd.s32 s0, s3;
	s0 =	sld [smem:$0x3FAF]  }
0x30: {  	s3 =	sld [smem:$0x3FB2]  }
0x31: {  	[smem:$0x3FBB] =	sst s10  }
0x32: {  	s10 =	sld [smem:$0x3FB9];
	_ =	sdelay $0x3  }
0x33: {  	p0 =	seq.s32 s10, $0x1;
	s10 =	sld [smem:$0x3FBB];
	_ =	sdelay $0x3  }
0x34: {  	[smem:$0x3FBB] =	sst s10  }
0x35: {  	s10 =	sld [smem:$0x3FBA];
	_ =	sdelay $0x3  }
0x36: {  	p1 =	seq.s32 s10, $0x1;
	s10 =	sld [smem:$0x3FBB];
	_ =	sdelay $0x3  }
0x37: {  	[smem:$0x3FBB] =	sst s10  }
0x38: {  	s10 =	sld [smem:$0x3FBC]  }
0x39: {  	_ = 	snop;
	(pc) =	sbr.ind lr, $3  }
0x3a: {  	_ = 	snop  }
0x3b: {  	_ = 	snop  }
0x3c: {  	p2 =	seq.s32 s10, $0x1;
	s10 =	sld [smem:$0x3FBB]  }
0x3d: {  	_ =	shalt  }
0x3e: {  	_ =	shalt  }
0x3f: {  	_ =	shalt  }
0x40: {  	_ =	shalt  }
0x41: {  	_ =	shalt  }
0x42: {  	_ =	shalt  }
0x43: {  	_ =	shalt  }
0x44: {  	_ =	shalt  }
0x45: {  	_ =	shalt  }
0x46: {  	_ =	shalt  }
0x47: {  	_ =	shalt  }
0x48: {  	_ =	shalt  }
0x49: {  	_ =	shalt  }
0x4a: {  	_ =	shalt  }
0x4b: {  	_ =	shalt  }
0x4c: {  	_ =	shalt  }
0x4d: {  	_ =	shalt  }
0x4e: {  	_ =	shalt  }
0x4f: {  	_ =	shalt  }
0x50: {  	_ =	shalt  }
0x51: {  	_ =	shalt  }
0x52: {  	_ =	shalt  }
0x53: {  	_ =	shalt  }
0x54: {  	_ =	shalt  }
0x55: {  	_ =	shalt  }
0x56: {  	_ =	shalt  }
0x57: {  	_ =	shalt  }
0x58: {  	_ =	shalt  }
0x59: {  	_ =	shalt  }
0x5a: {  	_ =	shalt  }
0x5b: {  	_ =	shalt  }
0x5c: {  	_ =	shalt  }
0x5d: {  	_ =	shalt  }
0x5e: {  	_ =	shalt  }
0x5f: {  	_ =	shalt  }
0x60: {  	_ =	shalt  }
0x61: {  	_ =	shalt  }
0x62: {  	_ =	shalt  }
0x63: {  	_ =	shalt  }
0x64: {  	_ =	shalt  }
0x65: {  	_ =	shalt  }
0x66: {  	_ =	shalt  }
0x67: {  	_ =	shalt  }
0x68: {  	_ =	shalt  }
0x69: {  	_ =	shalt  }
0x6a: {  	_ =	shalt  }
0x6b: {  	_ =	shalt  }
0x6c: {  	_ =	shalt  }
0x6d: {  	_ =	shalt  }
0x6e: {  	_ =	shalt  }
0x6f: {  	_ =	shalt  }
0x70: {  	_ =	shalt  }
0x71: {  	_ =	shalt  }
0x72: {  	_ =	shalt  }
0x73: {  	_ =	shalt  }
0x74: {  	_ =	shalt  }
0x75: {  	_ =	shalt  }
0x76: {  	_ =	shalt  }
0x77: {  	_ =	shalt  }
0x78: {  	_ =	shalt  }
0x79: {  	_ =	shalt  }
0x7a: {  	_ =	shalt  }
0x7b: {  	_ =	shalt  }
0x7c: {  	_ =	shalt  }
0x7d: {  	_ =	shalt  }
0x7e: {  	_ =	shalt  }
0x7f: {  	_ =	shalt  }
0x80: {  	_ =	shalt  }
0x81: {  	_ =	shalt  }
0x82: {  	_ =	shalt  }
0x83: {  	_ =	shalt  }
0x84: {  	_ =	shalt  }
0x85: {  	_ =	shalt  }
0x86: {  	_ =	shalt  }
0x87: {  	_ =	shalt  }
.Lfunc_end0:
.L_simem_size_0:
called_computation_lowered:
.L_overlay_start_0:
0x88: {  	s2 =	sld [smem:$0x3FD9]  }
0x89: {  	s3 =	sld [smem:$0x3FFE];
	_ =	sdelay $0x1  }
0x8a: {  	s1 =	srdreg.scid  }
0x8b: {  	s0 =	sand.u32 $0x1, s1  }
0x8c: {  	s18 =	sshll.u32 s0, $0xA;
	s2 =	sadd.s32 s3, s2  }
0x8d: {  	s2 =	sadd.s32 s2, s18  }
0x8e: {  	[smem:$0x3FC7] =	sst s2  }
0x8f: {  	_ = 	snop  }
0x90: {  	s2 =	sld [smem:$0x3FC9]  }
0x91: {  	s19 =	sld [smem:$0x3FD0];
	(tm) =	ssettm $0x1  }
0x92: {  	s4 =	sld [smem:$0x3FFB];
	_ =	sdelay $0x3  }
0x93: {  	_ =	strace s4  }
0x94: {  	s4 =	sld [smem:$0x3FFC];
	_ =	sdelay $0x3  }
0x95: {  	_ =	strace s4  }
0x96: {  	s4 =	sld [smem:$0x3FFD];
	_ =	sdelay $0x3  }
0x97: {  	_ =	strace s4  }
0x98: {  	_ =	strace $0x8FFFFFFF  }
0x99: {  	s20 =	sld [smem:$0x3FDB];
	_ =	sdelay $0x1  }
0x9a: {  	s5 =	simm.s32 $_scs_section_size  }
0x9b: {  	s6 =	simm.s32 $_size__tile_overlayer_lowered;
	s7 =	simm.s32 $_tile_overlayer_lowered  }
0x9c: {  	s23 =	simm.s32 $0x1BFF;
	s22 =	sshll.u32 s7, $0x1;
	s4 =	sadd.s32 s5, s20  }
0x9d: {  	s8 =	simm.s32 $0x0;
	s21 =	sshll.u32 s6, $0x1;
	s6 =	sadd.s32 s22, s4  }
0x9e: {  	[timem:s8], [sflag:s23] =	dma.local [hbm:s6], s21  }
0x9f: {  	_ =	swait.ge [sflag:s23], s21  }
0xa0: {  	s5 =	ssub.s32 $0x0, s21;
	[sflag:s23] =	ssyncset.done $0x0  }
0xa1: {  	[sflag:s23] =	ssyncadd.s32 s5;
	_ =	sdelay $0x1  }
0xa2: {  	s24 =	simm.s32 $0x1B8B  }
0xa3: {  	_ =	swait.ge [sflag:s24], $0x1  }
0xa4: {  	[sflag:s24] =	ssyncset.done $0x0  }
0xa5: {  	s25 =	simm.s32 $0x1B8E;
	[sflag:s24] =	ssyncadd.s32 $0xFFFFFFFF  }
0xa6: {  	s26 =	simm.s32 $execute0_lowered;
	[smem:$0x3FD2] =	sst s25  }
0xa7: {  	s5 =	sshll.u32 s26, $0x1;
	_ =	strace $0x80000046;
	[dreg:$0x1] =	wrdreg $0xFFFFFFFF  }
0xa8: {  	s28 =	simm.s32 $_size_execute0_lowered;
	s4 =	sadd.s32 s4, s5;
	[dreg:$0x0] =	wrdreg $0x0  }
0xa9: {  	s5 =	sshll.u32 s28, $0x1;
	[dreg:$0x2] =	wrdreg s4  }
0xaa: {  	[dreg:$0x3] =	wrdreg s5  }
0xab: {  	[dreg:$0x4] =	wrdreg $0xC0  }
0xac: {  	_ =	task [dreg:s8], $0x5FFFF  }
0xad: {  	[dreg:$0x1] =	wrdreg $0xFFFFFFFF  }
0xae: {  	[dreg:$0x0] =	wrdreg $0x60  }
0xaf: {  	[dreg:$0x2] =	wrdreg s2  }
0xb0: {  	[dreg:$0x3] =	wrdreg s19  }
0xb1: {  	[dreg:$0x4] =	wrdreg $0x9  }
0xb2: {  	_ =	task.clear_ibuf [dreg:s8], $0x5FFFF;
	_ =	strace $0x90000046  }
0xb3: {  	s29 =	simm.s32 $0x9;
	_ =	strace $0x80000048  }
0xb4: {  	_ =	swait.ge [sflag:s29], $0x1  }
0xb5: {  	[sflag:s29] =	ssyncadd.s32 $0xFFFFFFFF  }
0xb6: {  	_ =	strace $0x90000048  }
0xb7: {  	_ =	sfence  }
0xb8: {  	s30 =	sld [smem:$0x0];
	_ =	sdelay $0x2  }
0xb9: {  	s31 =	sshll.u32 s1, $0xD;
	s1 =	sshrl.u32 s1, $0x2  }
0xba: {  	s3 =	sand.u32 $0x4000, s31;
	s1 =	sadd.s32 s1, s30  }
0xbb: {  	s0 =	sor.u32 s3, s0;
	s1 =	sshll.u32 s1, $0x11  }
0xbc: {  	s0 =	sor.u32 s1, s0  }
0xbd: {  	s0 =	sadd.s32 $0x8F2B, s0  }
0xbe: {  	[sflag:s0] =	ssyncadd.remote.s32 $0x1  }
0xbf: {  	_ =	sfence.sel $0xFFFF  }
0xc0: {  	[dreg:$0x0] =	wrdreg $0xFFFFFFFF;
	(pc) =	sbr.abs _section_cstart, $3  }
0xc1: {  	[dreg:$0x1] =	wrdreg $0xFFFFFFFF  }
0xc2: {  	_ =	task.clear_ibuf [dreg:s8], $0x2FFFF;
	_ =	strace $0x9FFFFFFF  }
0xc3: {  	(tm) =	ssettm $0x7FFFFFFF  }
tec
execute0_lowered:
.L_overlay_start_1:
0x0: {  	(tag) =	ssettag $0x1  }
0x1: {  	s3 =	srdreg.scid  }
0x2: {  	s5 =	stileid.u32;
	s3 =	sand.u32 $0x1, s3  }
0x3: {  	s5 =	sshll.u32 s5, $0xA;
	s4 =	ssub.s32 $0x2, s3;
	s3 =	sshll.u32 s3, $0x9  }
0x4: {  	s0 =	rddreg [dreg:$0x0];
	s5 =	sor.u32 s3, s5  }
0x5: {  	s1 =	rddreg [dreg:$0x1];
	s2 =	simm.s32 $0x0;
	s3 =	sadd.s32 s0, s5  }
0x6: {  	[smem:$0x7FF] =	sst s2;
	s0 =	sadd.s32 $0x20000, s3  }
0x7: {  	_ =	strace $0x80000047;
	s15 =	sadd.s32 $0x40000, s3;
	[dreg:$0x3] =	wrdreg s0  }
0x8: {  	s7 =	simm.s32 $0x0;
	s16 =	sadd.s32 $0x60000, s3;
	[dreg:$0x4] =	wrdreg s15  }
0x9: {  	s6 =	sshrl.u32 s4, $0x1;
	s17 =	sadd.s32 $0x80000, s3;
	[dreg:$0x5] =	wrdreg s16  }
0xa: {  	s4 =	ssub.s32 s4, s6;
	s18 =	sadd.s32 $0xA0000, s3;
	[dreg:$0x6] =	wrdreg s17  }
0xb: {  	s26 =	sshrl.u32 s5, $0x2;
	s19 =	sadd.s32 $0xC0000, s3;
	[dreg:$0x7] =	wrdreg s18  }
0xc: {  	s5 =	simm.s32 $0x1;
	s20 =	sadd.s32 $0xE0000, s3;
	[dreg:$0x8] =	wrdreg s19  }
0xd: {  	s6 =	simm.s32 $0x100;
	s21 =	sadd.s32 $0x100000, s3;
	[dreg:$0x9] =	wrdreg s20  }
0xe: {  	s22 =	sadd.s32 $0x120000, s3;
	s23 =	sadd.s32 $0x140000, s3;
	[dreg:$0xa] =	wrdreg s21  }
0xf: {  	s24 =	sadd.s32 $0x160000, s3;
	s25 =	sadd.s32 $0x180000, s3;
	[dreg:$0xb] =	wrdreg s22  }
0x10: {  	s28 =	sadd.s32 $0x2C0000, s3;
	s29 =	sadd.s32 $0x2E0000, s3;
	[dreg:$0xc] =	wrdreg s23  }
0x11: {  	s30 =	sadd.s32 $0x300000, s3;
	s31 =	sadd.s32 $0x320000, s3;
	[dreg:$0xd] =	wrdreg s24  }
0x12: {  	[dreg:$0xe] =	wrdreg s25;
	s16 =	sadd.s32 $0x1A0000, s3;
	s17 =	sadd.s32 $0x1C0000, s3  }
0x13: {  	s18 =	sadd.s32 $0x1E0000, s3;
	s19 =	sadd.s32 $0x200000, s3;
	s20 =	sadd.s32 $0x220000, s3  }
0x14: {  	s21 =	sadd.s32 $0x240000, s3;
	s22 =	sadd.s32 $0x260000, s3;
	s23 =	sadd.s32 s1, s26  }
0x15: {  	s24 =	sadd.s32 $0x280000, s3;
	s25 =	smax.u32 s4, $0x1;
	s26 =	sadd.s32 $0x2A0000, s3  }
0x16: {  	v0 =	vimm.f32 $0.0e+00;
	s1 =	simm.s32 $0x80;
	s4 =	simm.s32 $0x400;
	s0 =	sadd.s32 $0x10, s23  }
.LBB2_1:
0x17: {  	[tilespmem:s2], [sflag:$0x1] =	stream.strided.gather [hbm4b:s3+s1], $0x200, s4, s1, $0x38;
	[tilespmem:$0x3800] =	vst v63  }
0x18: {  	s8 =	rddreg [dreg:$0x3];
	s9 =	simm.s32 $0x200  }
0x19: {  	[tilespmem:s9], [sflag:$0x1] =	stream.strided.gather [hbm4b:s8+s1], $0x200, s4, s1, $0x38;
	[tilespmem:$0x3800] =	vst v63  }
0x1a: {  	s13 =	rddreg [dreg:$0x4]  }
0x1b: {  	[tilespmem:s4], [sflag:$0x1] =	stream.strided.gather [hbm4b:s13+s1], $0x200, s4, s1, $0x38;
	[tilespmem:$0x3800] =	vst v63  }
0x1c: {  	s14 =	rddreg [dreg:$0x5];
	s15 =	simm.s32 $0x600  }
0x1d: {  	[tilespmem:s15], [sflag:$0x1] =	stream.strided.gather [hbm4b:s14+s1], $0x200, s4, s1, $0x38;
	[tilespmem:$0x3800] =	vst v63  }
0x1e: {  	s10 =	rddreg [dreg:$0x6];
	s11 =	simm.s32 $0x800  }
0x1f: {  	[tilespmem:s11], [sflag:$0x1] =	stream.strided.gather [hbm4b:s10+s1], $0x200, s4, s1, $0x38;
	[tilespmem:$0x3800] =	vst v63  }
0x20: {  	s12 =	rddreg [dreg:$0x7];
	s13 =	simm.s32 $0xA00  }
0x21: {  	[tilespmem:s13], [sflag:$0x1] =	stream.strided.gather [hbm4b:s12+s1], $0x200, s4, s1, $0x38;
	[tilespmem:$0x3800] =	vst v63  }
0x22: {  	s14 =	rddreg [dreg:$0x8];
	s15 =	simm.s32 $0xC00  }
0x23: {  	[tilespmem:s15], [sflag:$0x1] =	stream.strided.gather [hbm4b:s14+s1], $0x200, s4, s1, $0x38;
	[tilespmem:$0x3800] =	vst v63  }
0x24: {  	s10 =	rddreg [dreg:$0x9];
	s11 =	simm.s32 $0xE00  }
0x25: {  	[tilespmem:s11], [sflag:$0x1] =	stream.strided.gather [hbm4b:s10+s1], $0x200, s4, s1, $0x38;
	[tilespmem:$0x3800] =	vst v63  }
0x26: {  	s12 =	rddreg [dreg:$0xa];
	s13 =	simm.s32 $0x1000  }
0x27: {  	[tilespmem:s13], [sflag:$0x1] =	stream.strided.gather [hbm4b:s12+s1], $0x200, s4, s1, $0x38;
	[tilespmem:$0x3800] =	vst v63  }
0x28: {  	s14 =	rddreg [dreg:$0xb];
	s15 =	simm.s32 $0x1200  }
0x29: {  	[tilespmem:s15], [sflag:$0x1] =	stream.strided.gather [hbm4b:s14+s1], $0x200, s4, s1, $0x38;
	[tilespmem:$0x3800] =	vst v63  }
0x2a: {  	s10 =	rddreg [dreg:$0xc];
	s11 =	simm.s32 $0x1400  }
0x2b: {  	[tilespmem:s11], [sflag:$0x1] =	stream.strided.gather [hbm4b:s10+s1], $0x200, s4, s1, $0x38;
	[tilespmem:$0x3800] =	vst v63  }
0x2c: {  	s12 =	rddreg [dreg:$0xd];
	s13 =	simm.s32 $0x1600  }
0x2d: {  	[tilespmem:s13], [sflag:$0x1] =	stream.strided.gather [hbm4b:s12+s1], $0x200, s4, s1, $0x38;
	[tilespmem:$0x3800] =	vst v63  }
0x2e: {  	s14 =	rddreg [dreg:$0xe];
	s15 =	simm.s32 $0x1800  }
0x2f: {  	[tilespmem:s15], [sflag:$0x1] =	stream.strided.gather [hbm4b:s14+s1], $0x200, s4, s1, $0x38;
	[tilespmem:$0x3800] =	vst v63  }
0x30: {  	s10 =	simm.s32 $0x1A00  }
0x31: {  	[tilespmem:s10], [sflag:$0x1] =	stream.strided.gather [hbm4b:s16+s1], $0x200, s4, s1, $0x38;
	[tilespmem:$0x3800] =	vst v63  }
0x32: {  	s11 =	simm.s32 $0x1C00  }
0x33: {  	[tilespmem:s11], [sflag:$0x1] =	stream.strided.gather [hbm4b:s17+s1], $0x200, s4, s1, $0x38;
	[tilespmem:$0x3800] =	vst v63  }
0x34: {  	s12 =	simm.s32 $0x1E00  }
0x35: {  	[tilespmem:s12], [sflag:$0x1] =	stream.strided.gather [hbm4b:s18+s1], $0x200, s4, s1, $0x38;
	[tilespmem:$0x3800] =	vst v63  }
0x36: {  	s13 =	simm.s32 $0x2000  }
0x37: {  	[tilespmem:s13], [sflag:$0x1] =	stream.strided.gather [hbm4b:s19+s1], $0x200, s4, s1, $0x38;
	[tilespmem:$0x3800] =	vst v63  }
0x38: {  	s14 =	simm.s32 $0x2200  }
0x39: {  	[tilespmem:s14], [sflag:$0x1] =	stream.strided.gather [hbm4b:s20+s1], $0x200, s4, s1, $0x38;
	[tilespmem:$0x3800] =	vst v63  }
0x3a: {  	s15 =	simm.s32 $0x2400  }
0x3b: {  	[tilespmem:s15], [sflag:$0x1] =	stream.strided.gather [hbm4b:s21+s1], $0x200, s4, s1, $0x38;
	[tilespmem:$0x3800] =	vst v63  }
0x3c: {  	s9 =	simm.s32 $0x2600  }
0x3d: {  	[tilespmem:s9], [sflag:$0x1] =	stream.strided.gather [hbm4b:s22+s1], $0x200, s4, s1, $0x38;
	[tilespmem:$0x3800] =	vst v63  }
0x3e: {  	s10 =	simm.s32 $0x2800  }
0x3f: {  	[tilespmem:s10], [sflag:$0x1] =	stream.strided.gather [hbm4b:s24+s1], $0x200, s4, s1, $0x38;
	[tilespmem:$0x3800] =	vst v63  }
0x40: {  	s11 =	simm.s32 $0x2A00  }
0x41: {  	[tilespmem:s11], [sflag:$0x1] =	stream.strided.gather [hbm4b:s26+s1], $0x200, s4, s1, $0x38;
	[tilespmem:$0x3800] =	vst v63  }
0x42: {  	s12 =	simm.s32 $0x2C00  }
0x43: {  	[tilespmem:s12], [sflag:$0x1] =	stream.strided.gather [hbm4b:s28+s1], $0x200, s4, s1, $0x38;
	[tilespmem:$0x3800] =	vst v63  }
0x44: {  	s13 =	simm.s32 $0x2E00  }
0x45: {  	[tilespmem:s13], [sflag:$0x1] =	stream.strided.gather [hbm4b:s29+s1], $0x200, s4, s1, $0x38;
	[tilespmem:$0x3800] =	vst v63  }
0x46: {  	s14 =	simm.s32 $0x3000  }
0x47: {  	[tilespmem:s14], [sflag:$0x1] =	stream.strided.gather [hbm4b:s30+s1], $0x200, s4, s1, $0x38;
	[tilespmem:$0x3800] =	vst v63  }
0x48: {  	s15 =	simm.s32 $0x3200  }
0x49: {  	[tilespmem:s15], [sflag:$0x1] =	stream.strided.gather [hbm4b:s31+s1], $0x200, s4, s1, $0x38;
	[tilespmem:$0x3800] =	vst v63  }
0x4a: {  	_ =	swait.ge [sflag:s5], $0x200  }
0x4b: {  	[sflag:s5] =	ssyncset.done $0x0  }
0x4c: {  	[sflag:s5] =	ssyncadd.s32 $0xFFFFFE00  }
0x4d: {  	_ =	swait.ge [sflag:s5], $0x200  }
0x4e: {  	[sflag:s5] =	ssyncset.done $0x0  }
0x4f: {  	[sflag:s5] =	ssyncadd.s32 $0xFFFFFE00  }
0x50: {  	_ =	swait.ge [sflag:s5], $0x200  }
0x51: {  	[sflag:s5] =	ssyncset.done $0x0  }
0x52: {  	[sflag:s5] =	ssyncadd.s32 $0xFFFFFE00  }
0x53: {  	_ =	swait.ge [sflag:s5], $0x200  }
0x54: {  	[sflag:s5] =	ssyncset.done $0x0  }
0x55: {  	[sflag:s5] =	ssyncadd.s32 $0xFFFFFE00  }
0x56: {  	_ =	swait.ge [sflag:s5], $0x200  }
0x57: {  	[sflag:s5] =	ssyncset.done $0x0  }
0x58: {  	[sflag:s5] =	ssyncadd.s32 $0xFFFFFE00  }
0x59: {  	_ =	swait.ge [sflag:s5], $0x200  }
0x5a: {  	[sflag:s5] =	ssyncset.done $0x0  }
0x5b: {  	[sflag:s5] =	ssyncadd.s32 $0xFFFFFE00  }
0x5c: {  	_ =	swait.ge [sflag:s5], $0x200  }
0x5d: {  	[sflag:s5] =	ssyncset.done $0x0  }
0x5e: {  	[sflag:s5] =	ssyncadd.s32 $0xFFFFFE00  }
0x5f: {  	_ =	swait.ge [sflag:s5], $0x200  }
0x60: {  	[sflag:s5] =	ssyncset.done $0x0  }
0x61: {  	[sflag:s5] =	ssyncadd.s32 $0xFFFFFE00  }
0x62: {  	_ =	swait.ge [sflag:s5], $0x200  }
0x63: {  	[sflag:s5] =	ssyncset.done $0x0  }
0x64: {  	[sflag:s5] =	ssyncadd.s32 $0xFFFFFE00  }
0x65: {  	_ =	swait.ge [sflag:s5], $0x200  }
0x66: {  	[sflag:s5] =	ssyncset.done $0x0  }
0x67: {  	[sflag:s5] =	ssyncadd.s32 $0xFFFFFE00  }
0x68: {  	_ =	swait.ge [sflag:s5], $0x200  }
0x69: {  	[sflag:s5] =	ssyncset.done $0x0  }
0x6a: {  	[sflag:s5] =	ssyncadd.s32 $0xFFFFFE00  }
0x6b: {  	_ =	swait.ge [sflag:s5], $0x200  }
0x6c: {  	[sflag:s5] =	ssyncset.done $0x0  }
0x6d: {  	[sflag:s5] =	ssyncadd.s32 $0xFFFFFE00  }
0x6e: {  	_ =	swait.ge [sflag:s5], $0x200  }
0x6f: {  	[sflag:s5] =	ssyncset.done $0x0  }
0x70: {  	[sflag:s5] =	ssyncadd.s32 $0xFFFFFE00  }
0x71: {  	_ =	swait.ge [sflag:s5], $0x200  }
0x72: {  	[sflag:s5] =	ssyncset.done $0x0  }
0x73: {  	[sflag:s5] =	ssyncadd.s32 $0xFFFFFE00  }
0x74: {  	_ =	swait.ge [sflag:s5], $0x200  }
0x75: {  	[sflag:s5] =	ssyncset.done $0x0  }
0x76: {  	[sflag:s5] =	ssyncadd.s32 $0xFFFFFE00  }
0x77: {  	_ =	swait.ge [sflag:s5], $0x200  }
0x78: {  	[sflag:s5] =	ssyncset.done $0x0  }
0x79: {  	[sflag:s5] =	ssyncadd.s32 $0xFFFFFE00  }
0x7a: {  	_ =	swait.ge [sflag:s5], $0x200  }
0x7b: {  	[sflag:s5] =	ssyncset.done $0x0  }
0x7c: {  	[sflag:s5] =	ssyncadd.s32 $0xFFFFFE00  }
0x7d: {  	_ =	swait.ge [sflag:s5], $0x200  }
0x7e: {  	[sflag:s5] =	ssyncset.done $0x0  }
0x7f: {  	[sflag:s5] =	ssyncadd.s32 $0xFFFFFE00  }
0x80: {  	_ =	swait.ge [sflag:s5], $0x200  }
0x81: {  	[sflag:s5] =	ssyncset.done $0x0  }
0x82: {  	[sflag:s5] =	ssyncadd.s32 $0xFFFFFE00  }
0x83: {  	_ =	swait.ge [sflag:s5], $0x200  }
0x84: {  	[sflag:s5] =	ssyncset.done $0x0  }
0x85: {  	[sflag:s5] =	ssyncadd.s32 $0xFFFFFE00  }
0x86: {  	_ =	swait.ge [sflag:s5], $0x200  }
0x87: {  	[sflag:s5] =	ssyncset.done $0x0  }
0x88: {  	[sflag:s5] =	ssyncadd.s32 $0xFFFFFE00  }
0x89: {  	_ =	swait.ge [sflag:s5], $0x200  }
0x8a: {  	[sflag:s5] =	ssyncset.done $0x0  }
0x8b: {  	[sflag:s5] =	ssyncadd.s32 $0xFFFFFE00  }
0x8c: {  	_ =	swait.ge [sflag:s5], $0x200  }
0x8d: {  	[sflag:s5] =	ssyncset.done $0x0  }
0x8e: {  	[sflag:s5] =	ssyncadd.s32 $0xFFFFFE00  }
0x8f: {  	_ =	swait.ge [sflag:s5], $0x200  }
0x90: {  	[sflag:s5] =	ssyncset.done $0x0  }
0x91: {  	[sflag:s5] =	ssyncadd.s32 $0xFFFFFE00  }
0x92: {  	_ =	swait.ge [sflag:s5], $0x200  }
0x93: {  	[sflag:s5] =	ssyncset.done $0x0  }
0x94: {  	[sflag:s5] =	ssyncadd.s32 $0xFFFFFE00  }
0x95: {  	_ =	swait.ge [sflag:s5], $0x200  }
0x96: {  	[sflag:s5] =	ssyncset.done $0x0  }
0x97: {  	s10 =	sand.u32 $0x1F0, s2;
	[sflag:s5] =	ssyncadd.s32 $0xFFFFFE00  }
0x98: {  	v6 =	vld [tilespmem:s10+$0x200]  }
0x99: {  	v2 =	vld [tilespmem:s10+$0x1A00]  }
0x9a: {  	v3 =	vld [tilespmem:s10+$0x1600]  }
0x9b: {  	v1 =	vld [tilespmem:s10+$0x1E00]  }
0x9c: {  	v4 =	vld [tilespmem:s10+$0xE00]  }
0x9d: {  	s8 =	simm.s32 $0x3600;
	s9 =	simm.s32 $0x3400;
	s11 =	simm.s32 $0x10;
	v5 =	vld [tilespmem:s10+$0xA00]  }
0x9e: {  	s12 =	simm.s32 $0x0;
	s13 =	simm.s32 $0x3400;
	s14 =	simm.s32 $0x3600;
	v7 =	vld [tilespmem:s2+$0x0]  }
.LBB2_2:
0x9f: {  	v8 =	vld [tilespmem:s10+$0xC00];
	s12 =	sadd.s32 $0x10, s12;
	s13 =	sadd.s32 $0x10, s13;
	s14 =	sadd.s32 $0x10, s14  }
0xa0: {  	p0 =	sne.s32 s11, $0x1F0;
	s15 =	smov.u32 s11;
	s11 =	sadd.s32 $0x10, s11;
	v9 =	vld [tilespmem:s10+$0x800]  }
0xa1: {  	v10 =	vld [tilespmem:s10+$0x600]  }
0xa2: {  	v11 =	vld [tilespmem:s10+$0x400]  }
0xa3: {  	v12 =	vld [tilespmem:s10+$0x1200]  }
0xa4: {  	v13 =	vld [tilespmem:s10+$0x1000]  }
0xa5: {  	v14 =	vmax.f32 v7, $0.0e+00;
	v7 =	vmin.f32 v7, $1.000000000e+00;
	v15 =	vld [tilespmem:s10+$0x1400]  }
0xa6: {  	v16 =	vld [tilespmem:s10+$0x1800]  }
0xa7: {  	v17 =	vmax.f32 v6, $0.0e+00;
	v6 =	vmin.f32 v6, $1.000000000e+00;
	v7 =	vmin.f32 v7, v11;
	v18 =	vld [tilespmem:s10+$0x1C00]  }
0xa8: {  	v17 =	vmax.f32 v17, v10;
	v6 =	vmin.f32 v6, v10;
	v7 =	vmin.f32 v7, v9;
	v10 =	vld [tilespmem:s10+$0x2000]  }
0xa9: {  	v11 =	vmax.f32 v14, v11;
	v14 =	vmax.f32 v17, v5;
	v5 =	vmin.f32 v6, v5;
	v6 =	vld [tilespmem:s10+$0x2400]  }
0xaa: {  	v9 =	vmax.f32 v11, v9;
	v11 =	vmax.f32 v14, v4;
	v4 =	vmin.f32 v5, v4;
	v5 =	vld [tilespmem:s10+$0x2200]  }
0xab: {  	v7 =	vmin.f32 v7, v8;
	v11 =	vmax.f32 v11, v12;
	v4 =	vmin.f32 v4, v12;
	v12 =	vld [tilespmem:s10+$0x2600]  }
0xac: {  	s15 =	sand.u32 $0x1F0, s15;
	v8 =	vmax.f32 v9, v8;
	v7 =	vmin.f32 v7, v13;
	v4 =	vmin.f32 v4, v3;
	v9 =	vld [tilespmem:s10+$0x2A00]  }
0xad: {  	v8 =	vmax.f32 v8, v13;
	v7 =	vmin.f32 v7, v15;
	v4 =	vmin.f32 v4, v2;
	v13 =	vld [tilespmem:s10+$0x2E00]  }
0xae: {  	v8 =	vmax.f32 v8, v15;
	v7 =	vmin.f32 v7, v16;
	v4 =	vmin.f32 v4, v1;
	v14 =	vld [tilespmem:s10+$0x3200]  }
0xaf: {  	v3 =	vmax.f32 v11, v3;
	v7 =	vmin.f32 v7, v18;
	v4 =	vmin.f32 v4, v5;
	v11 =	vld [tilespmem:s10+$0x2800]  }
0xb0: {  	v2 =	vmax.f32 v3, v2;
	v8 =	vmax.f32 v8, v16;
	v3 =	vmin.f32 v4, v12;
	v4 =	vld [tilespmem:s10+$0x2C00]  }
0xb1: {  	v8 =	vmax.f32 v8, v18;
	v7 =	vmin.f32 v7, v10;
	v3 =	vmin.f32 v3, v9;
	v15 =	vld [tilespmem:s10+$0x3000];
	s10 =	smov.u32 s15  }
0xb2: {  	v1 =	vmax.f32 v2, v1;
	v2 =	vmax.f32 v8, v10;
	v3 =	vmin.f32 v3, v13  }
0xb3: {  	v1 =	vmax.f32 v1, v5;
	v5 =	vmin.f32 v7, v6;
	v3 =	vmin.f32 v3, v14  }
0xb4: {  	v2 =	vmax.f32 v2, v6;
	v1 =	vmax.f32 v1, v12;
	v5 =	vmin.f32 v5, v11  }
0xb5: {  	v1 =	vmax.f32 v1, v9;
	v2 =	vmax.f32 v2, v11;
	v5 =	vmin.f32 v5, v4  }
0xb6: {  	v1 =	vmax.f32 v1, v13;
	v2 =	vmax.f32 v2, v4;
	v4 =	vmin.f32 v5, v15  }
0xb7: {  	v1 =	vmax.f32 v1, v14;
	v2 =	vmax.f32 v2, v15;
	v3 =	vmin.f32 v4, v3  }
0xb8: {  	v1 =	vmax.f32 v2, v1;
	vm0 =	vle.f32 v3, $5.000000000e-01  }
0xb9: {  	v2 =	vsel vm0, $0x3F800000, v0;
	vm0 =	vgt.f32 v1, $5.000000000e-01  }
0xba: {  	[tilespmem:s9+$0x0] =	vst v2;
	v1 =	vsel vm0, $0x3F800000, v0;
	s9 =	smov.u32 s13  }
0xbb: {  	[tilespmem:s8+$0x0] =	vst v1;
	s8 =	smov.u32 s14  }
0xbc: {  	v6 =	vld [tilespmem:s10+$0x200]  }
0xbd: {  	v2 =	vld [tilespmem:s10+$0x1A00]  }
.Ltmp0:
0xbe: {  	v3 =	vld [tilespmem:s10+$0x1600];
	(pc) =	sbr.rel @p0 .LBB2_2-.Ltmp0, $4  }
0xbf: {  	v1 =	vld [tilespmem:s10+$0x1E00]  }
0xc0: {  	v4 =	vld [tilespmem:s10+$0xE00]  }
0xc1: {  	v5 =	vld [tilespmem:s10+$0xA00]  }
0xc2: {  	v7 =	vld [tilespmem:s12+$0x0]  }
0xc3: {  	v8 =	vld [tilespmem:s10+$0xC00]  }
0xc4: {  	v9 =	vld [tilespmem:s10+$0x800]  }
0xc5: {  	v10 =	vld [tilespmem:s10+$0x600]  }
0xc6: {  	v11 =	vld [tilespmem:s10+$0x400]  }
0xc7: {  	v12 =	vld [tilespmem:s10+$0x1200]  }
0xc8: {  	v13 =	vld [tilespmem:s10+$0x1000]  }
0xc9: {  	v14 =	vld [tilespmem:s10+$0x1400]  }
0xca: {  	v16 =	vld [tilespmem:s10+$0x1800];
	v17 =	vmax.f32 v6, $0.0e+00;
	v46 =	vmin.f32 v7, $1.000000000e+00  }
0xcb: {  	v47 =	vmin.f32 v6, $1.000000000e+00;
	v18 =	vld [tilespmem:s10+$0x1C00];
	v15 =	vmax.f32 v7, $0.0e+00;
	v7 =	vmin.f32 v46, v11  }
0xcc: {  	v48 =	vld [tilespmem:s10+$0x2000];
	v17 =	vmax.f32 v17, v10;
	v6 =	vmin.f32 v47, v10;
	v11 =	vmax.f32 v15, v11  }
0xcd: {  	v51 =	vld [tilespmem:s10+$0x2400];
	v7 =	vmin.f32 v7, v9;
	v49 =	vmax.f32 v17, v5;
	v50 =	vmin.f32 v6, v5  }
0xce: {  	v54 =	vld [tilespmem:s10+$0x2200];
	v9 =	vmax.f32 v11, v9;
	v52 =	vmax.f32 v49, v4;
	v53 =	vmin.f32 v50, v4  }
0xcf: {  	v55 =	vld [tilespmem:s10+$0x2600];
	v7 =	vmin.f32 v7, v8;
	v8 =	vmax.f32 v9, v8;
	v11 =	vmax.f32 v52, v12  }
0xd0: {  	v56 =	vld [tilespmem:s10+$0x2A00];
	v4 =	vmin.f32 v53, v12;
	v7 =	vmin.f32 v7, v13;
	v8 =	vmax.f32 v8, v13  }
0xd1: {  	v57 =	vld [tilespmem:s10+$0x2E00];
	v4 =	vmin.f32 v4, v3;
	v7 =	vmin.f32 v7, v14;
	v8 =	vmax.f32 v8, v14  }
0xd2: {  	v58 =	vld [tilespmem:s10+$0x3200];
	v3 =	vmax.f32 v11, v3;
	v4 =	vmin.f32 v4, v2;
	v7 =	vmin.f32 v7, v16  }
0xd3: {  	v59 =	vld [tilespmem:s10+$0x2800];
	v8 =	vmax.f32 v8, v16;
	v2 =	vmax.f32 v3, v2;
	v4 =	vmin.f32 v4, v1  }
0xd4: {  	v60 =	vld [tilespmem:s10+$0x2C00];
	v7 =	vmin.f32 v7, v18;
	v8 =	vmax.f32 v8, v18;
	v1 =	vmax.f32 v2, v1  }
0xd5: {  	v61 =	vld [tilespmem:s10+$0x3000];
	v4 =	vmin.f32 v4, v54;
	v7 =	vmin.f32 v7, v48;
	v2 =	vmax.f32 v8, v48  }
0xd6: {  	v1 =	vmax.f32 v1, v54;
	v3 =	vmin.f32 v4, v55;
	v62 =	vmin.f32 v7, v51  }
0xd7: {  	v2 =	vmax.f32 v2, v51;
	v1 =	vmax.f32 v1, v55;
	v3 =	vmin.f32 v3, v56  }
0xd8: {  	v5 =	vmin.f32 v62, v59;
	v2 =	vmax.f32 v2, v59;
	v1 =	vmax.f32 v1, v56  }
0xd9: {  	v3 =	vmin.f32 v3, v57;
	v5 =	vmin.f32 v5, v60;
	v2 =	vmax.f32 v2, v60  }
0xda: {  	v1 =	vmax.f32 v1, v57;
	v3 =	vmin.f32 v3, v58;
	v63 =	vmin.f32 v5, v61  }
0xdb: {  	v2 =	vmax.f32 v2, v61;
	v1 =	vmax.f32 v1, v58;
	v3 =	vmin.f32 v63, v3  }
0xdc: {  	v1 =	vmax.f32 v2, v1;
	vm0 =	vle.f32 v3, $5.000000000e-01  }
0xdd: {  	vm15 =	vgt.f32 v1, $5.000000000e-01;
	v2 =	vsel vm0, $0x3F800000, v0  }
0xde: {  	v1 =	vsel vm15, $0x3F800000, v0;
	[tilespmem:s9+$0x0] =	vst v2  }
0xdf: {  	s14 =	simm.s32 $0x3400;
	[tilespmem:s8+$0x0] =	vst v1  }
0xe0: {  	[hbm4b:s23+s1] =	stream.strided.scatter [tilespmem:s14], [sflag:$0x1], $0x200, s6, s1, $0x38;
	[tilespmem:$0x3800] =	vst v63  }
0xe1: {  	s15 =	simm.s32 $0x3600;
	s7 =	sadd.s32 $0x1, s7  }
0xe2: {  	[hbm4b:s0+s1] =	stream.strided.scatter [tilespmem:s15], [sflag:$0x1], $0x200, s6, s1, $0x38;
	[tilespmem:$0x3800] =	vst v63  }
0xe3: {  	p0 =	sne.s32 s7, s25;
	_ =	swait.ge [sflag:s5], $0x200  }
.Ltmp1:
0xe4: {  	[sflag:s5] =	ssyncset.done $0x0;
	(pc) =	sbr.rel @p0 .LBB2_1-.Ltmp1, $4  }
0xe5: {  	[sflag:s5] =	ssyncadd.s32 $0xFFFFFE00  }
0xe6: {  	_ =	swait.ge [sflag:s5], $0x200  }
0xe7: {  	[sflag:s5] =	ssyncset.done $0x0  }
0xe8: {  	[sflag:s5] =	ssyncadd.s32 $0xFFFFFE00  }
0xe9: {  	_ =	sfence.sel $0x180000  }
0xea: {  	[bflag:$0x0] =	sbarrier.arrive $0xFFFF  }
0xeb: {  	_ =	strace $0x90000047  }
0xec: {  	s0 =	stileid.u32;
	[bflag:$0x2] =	sbarrier.arrive $0xFFFF  }
0xed: {  	p0 =	sne.s32 s0, $0x0;
	s0 =	rddreg [dreg:$0x2]  }
0xee: {  	s0 =	sadd.s32 @!p0 $0x100000, s0  }
0xef: {  	[sflag:s0] =	ssyncadd.tile.s32 @!p0 $0x1;
	_ =	shalt  }
.Lfunc_end2:
_tile_overlayer_lowered:
.L_overlay_start_2:
0xf0: {  	(tag) =	ssettag $0x2  }
0xf1: {  	s0 =	rddreg [dreg:$0x0];
	s2 =	stileid.u32  }
0xf2: {  	s1 =	rddreg [dreg:$0x1];
	p0 =	sne.s32 s2, $0x0  }
0xf3: {  	s3 =	rddreg [dreg:$0x2];
	[bflag:$0x3] =	sbarrier.arrive $0xFFFF;
	s2 =	simm.s32 @!p0 $0x1C02  }
0xf4: {  	[timem:s3], [sflag:s2] =	dma.local @!p0 [hbm:s0], s1  }
0xf5: {  	s0 =	simm.s32 @!p0 $0x2  }
0xf6: {  	_ =	swait.ge @!p0 [sflag:s0], s1  }
0xf7: {  	s1 =	ssub.s32 @!p0 $0x0, s1;
	[sflag:s0] =	ssyncset.done @!p0 $0x0  }
0xf8: {  	[sflag:s0] =	ssyncadd.s32 @!p0 s1  }
0xf9: {  	[bflag:$0x3] =	sbarrier.arrive $0xFFFF  }
0xfa: {  	_ =	shalt  }

</sc_bundles>
